<compile_context>
chip_gen: v7x
topology: tpu7x:2x2x1
jax: 0.10.2.dev20260603
libtpu: 0.0.44.dev20260713+nightly
codegen_flags: <defaults>
</compile_context>

<pallas_src>
import functools

import jax
import jax.numpy as jnp
from jax import lax
from jax.experimental import pallas as pl
from jax.experimental.pallas import tpu as pltpu
from jax.experimental.pallas import tpu_sc as plsc

B = 8
N_OBJ = 1024
N_REL = 512
N_FRAME = 256
N_ACTION = 256
T = N_OBJ + N_REL + N_FRAME + N_ACTION
D = 512
H = 256
EPS = 1e-12
BLK = 256
CH = 128


def _sc_gather(table_words, idx_flat):
    hw = table_words.shape[1]
    info = plsc.get_sparse_core_info()
    nc, ns = info.num_cores, info.num_subcores
    nw = nc * ns
    n = idx_flat.shape[0]
    rows_per_w = n // nw
    n_chunks = rows_per_w // CH

    @functools.partial(
        pl.kernel,
        out_type=jax.ShapeDtypeStruct((n, hw), jnp.int32),
        mesh=plsc.VectorSubcoreMesh(core_axis_name="c", subcore_axis_name="s"),
        scratch_types=[
            pltpu.VMEM((rows_per_w,), jnp.int32),
            [pltpu.VMEM((CH, hw), jnp.int32) for _ in range(n_chunks)],
            [pltpu.SemaphoreType.DMA for _ in range(n_chunks)],
            [pltpu.SemaphoreType.DMA for _ in range(n_chunks)],
        ],
    )
    def gather_kernel(table_hbm, idx_hbm, out_hbm, idx_v, rows_v, gsems, wsems):
        wid = lax.axis_index("s") * nc + lax.axis_index("c")
        base = wid * rows_per_w
        pltpu.sync_copy(idx_hbm.at[pl.ds(base, rows_per_w)], idx_v)
        gathers = [
            pltpu.async_copy(
                table_hbm.at[idx_v.at[pl.ds(c * CH, CH)]], rows_v[c], gsems[c])
            for c in range(n_chunks)
        ]
        writes = []
        for c in range(n_chunks):
            gathers[c].wait()
            writes.append(pltpu.async_copy(
                rows_v[c], out_hbm.at[pl.ds(base + c * CH, CH)], wsems[c]))
        for w in writes:
            w.wait()

    return gather_kernel(table_words, idx_flat)


def _tc_body(fo, fr, ff, fa, w_ref, b_ref, oe_ref, g_ref, lb_ref, out_ref):
    j = pl.program_id(1)
    t = ((j >= 4).astype(jnp.int32) + (j >= 6).astype(jnp.int32)
         + (j >= 7).astype(jnp.int32))

    def emit(x, k):
        w = oe_ref[0]
        lo = lax.bitcast_convert_type(w << 16, jnp.float32)
        hi = lax.bitcast_convert_type(w & jnp.int32(-65536), jnp.float32)
        oe = jnp.concatenate([lo, hi], axis=-1)
        y = (jnp.dot(x, w_ref[k], preferred_element_type=jnp.float32)
             + b_ref[k] + oe)
        mu = jnp.mean(y, axis=-1, keepdims=True)
        var = jnp.mean((y - mu) ** 2, axis=-1, keepdims=True)
        out_ref[0] = (y - mu) * lax.rsqrt(var + EPS) * g_ref[...] + lb_ref[...]

    @pl.when(t == 0)
    def _():
        emit(fo[0], 0)

    @pl.when(t == 1)
    def _():
        emit(fr[0], 1)

    @pl.when(t == 2)
    def _():
        emit(ff[0], 2)

    @pl.when(t == 3)
    def _():
        emit(fa[0], 3)


def _tc_half(fo, fr, ff, fa, w_stack, b_stack, oe_half, ln_g, ln_b, b_base,
             out_init):
    nb = oe_half.shape[0]
    in_specs = [
        pl.BlockSpec((1, BLK, D),
                     lambda b, j: (b + b_base, jnp.minimum(j, 3), 0)),
        pl.BlockSpec((1, BLK, D),
                     lambda b, j: (b + b_base, jnp.clip(j - 4, 0, 1), 0)),
        pl.BlockSpec((1, BLK, D), lambda b, j: (b + b_base, 0, 0)),
        pl.BlockSpec((1, BLK, D), lambda b, j: (b + b_base, 0, 0)),
        pl.BlockSpec((4, D, H), lambda b, j: (0, 0, 0)),
        pl.BlockSpec((4, 1, H), lambda b, j: (0, 0, 0)),
        pl.BlockSpec((1, BLK, H // 2), lambda b, j: (b, j, 0)),
        pl.BlockSpec((1, H), lambda b, j: (0, 0)),
        pl.BlockSpec((1, H), lambda b, j: (0, 0)),
    ]
    args = [fo, fr, ff, fa, w_stack, b_stack, oe_half, ln_g, ln_b]
    body = _tc_body
    aliases = {}
    if out_init is not None:
        in_specs.append(pl.BlockSpec(memory_space=pl.ANY))
        args.append(out_init)
        aliases = {9: 0}
        body = lambda *refs: _tc_body(*refs[:9], refs[10])
    return pl.pallas_call(
        body,
        grid=(nb, T // BLK),
        in_specs=in_specs,
        out_specs=pl.BlockSpec((1, BLK, H),
                               lambda b, j: (b + b_base, j, 0)),
        out_shape=jax.ShapeDtypeStruct((B, T, H), jnp.float32),
        input_output_aliases=aliases,
    )(*args)


def kernel(f_obj, f_rel, f_frame, f_action, order_idx, W_obj, b_obj, W_rel,
           b_rel, W_frame, b_frame, W_action, b_action, order_table,
           pos_table, ln_g, ln_b):
    idx_flat = order_idx.reshape(-1).astype(jnp.int32)
    tb = order_table.astype(jnp.bfloat16)
    tb_words = jax.lax.bitcast_convert_type(
        jnp.stack([tb[:, :H // 2], tb[:, H // 2:]], axis=-1), jnp.int32)
    half = B // 2
    oe_a = _sc_gather(tb_words, idx_flat[:half * T]).reshape(half, T, H // 2)
    oe_b = _sc_gather(tb_words, idx_flat[half * T:]).reshape(half, T, H // 2)
    w_stack = jnp.stack([W_obj, W_rel, W_frame, W_action])
    b_stack = jnp.stack([b_obj, b_rel, b_frame, b_action]).reshape(4, 1, H)
    fo = f_obj.reshape(B, N_OBJ, D)
    fr = f_rel.reshape(B, N_REL, D)
    ff = f_frame.reshape(B, N_FRAME, D)
    fa = f_action.reshape(B, N_ACTION, D)
    g2 = ln_g.reshape(1, H)
    lb2 = ln_b.reshape(1, H)
    out = _tc_half(fo, fr, ff, fa, w_stack, b_stack, oe_a, g2, lb2, 0, None)
    out = _tc_half(fo, fr, ff, fa, w_stack, b_stack, oe_b, g2, lb2, half, out)
    non_pad_mask = jnp.ones((B, T), dtype=bool)
    return (out, non_pad_mask)

# --- scband reference (transcript-rebuilt; emitter-appended) ---
"""Pipeline reference for scband-visual-input-embedding-dfs-58643483459633 (READ-ONLY COPY).

The authoritative reference and input builder live on the scoring server;
editing this copy changes nothing except your own understanding.
"""

import jax, jax.numpy as jnp
import numpy as np

B = 8
N_OBJ = 1024
N_REL = 512
N_FRAME = 256
N_ACTION = 256
T = N_OBJ + N_REL + N_FRAME + N_ACTION
OBJ_DIM = 512
REL_DIM = 512
FRAME_DIM = 512
ACTION_DIM = 512
H = 256
MAX_POS = 2048
EPS = 1e-12


def setup_inputs(seed: int = 0):
    key = jax.random.key(seed)
    ks = jax.random.split(key, 16)
    inp = {}
    inp["f_obj"] = jax.random.normal(ks[0], (B * N_OBJ, OBJ_DIM), dtype=jnp.float32)
    inp["f_rel"] = jax.random.normal(ks[1], (B * N_REL, REL_DIM), dtype=jnp.float32)
    inp["f_frame"] = jax.random.normal(ks[2], (B * N_FRAME, FRAME_DIM), dtype=jnp.float32)
    inp["f_action"] = jax.random.normal(ks[3], (B * N_ACTION, ACTION_DIM), dtype=jnp.float32)
    inp["order_idx"] = jax.random.randint(ks[4], (B, T), 0, MAX_POS)
    inp["W_obj"] = jax.random.normal(ks[5], (OBJ_DIM, H), dtype=jnp.float32) * 0.02
    inp["b_obj"] = jnp.zeros((H,), dtype=jnp.float32)
    inp["W_rel"] = jax.random.normal(ks[6], (REL_DIM, H), dtype=jnp.float32) * 0.02
    inp["b_rel"] = jnp.zeros((H,), dtype=jnp.float32)
    inp["W_frame"] = jax.random.normal(ks[7], (FRAME_DIM, H), dtype=jnp.float32) * 0.02
    inp["b_frame"] = jnp.zeros((H,), dtype=jnp.float32)
    inp["W_action"] = jax.random.normal(ks[8], (ACTION_DIM, H), dtype=jnp.float32) * 0.02
    inp["b_action"] = jnp.zeros((H,), dtype=jnp.float32)
    inp["order_table"] = jax.random.normal(ks[9], (MAX_POS, H), dtype=jnp.float32) * 0.02
    inp["pos_table"] = jax.random.normal(ks[10], (MAX_POS, H), dtype=jnp.float32) * 0.02
    inp["ln_g"] = jnp.ones((H,), dtype=jnp.float32)
    inp["ln_b"] = jnp.zeros((H,), dtype=jnp.float32)
    return inp


def _layer_norm(x, g, b):
    mu = jnp.mean(x, axis=-1, keepdims=True)
    var = jnp.mean((x - mu) ** 2, axis=-1, keepdims=True)
    return (x - mu) / jnp.sqrt(var + EPS) * g + b


def reference(f_obj, f_rel, f_frame, f_action, order_idx, W_obj, b_obj, W_rel, b_rel, W_frame, b_frame, W_action, b_action, order_table, pos_table, ln_g, ln_b):
    # per-type linear projections (lin_obj / lin_rel / lin_frame / lin_action)
    obj_tok = (f_obj @ W_obj + b_obj).reshape(B, N_OBJ, H)
    rel_tok = (f_rel @ W_rel + b_rel).reshape(B, N_REL, H)
    frame_tok = (f_frame @ W_frame + b_frame).reshape(B, N_FRAME, H)
    action_tok = (f_action @ W_action + b_action).reshape(B, N_ACTION, H)
    # per-sample concat of (obj, rel, frame, action) tokens; uniform lengths -> dense (B, T, H)
    visual_tokens = jnp.concatenate([obj_tok, rel_tok, frame_tok, action_tok], axis=1)
    # order embedding gather from concatenated per-sample dfs-order indices
    order_embeddings = jnp.take(order_table, order_idx, axis=0)
    # position embeddings are computed in the original forward but never added to the output
    position_ids = jnp.arange(T, dtype=jnp.int32)
    _position_embeddings = jnp.take(pos_table, position_ids, axis=0)
    # uniform lengths -> no padding, mask is all-valid
    non_pad_mask = jnp.ones((B, T), dtype=bool)
    embeddings = visual_tokens + order_embeddings
    embeddings = _layer_norm(embeddings, ln_g, ln_b)
    # dropout is identity in eval mode
    return (embeddings, non_pad_mask)

if __name__ == "__main__":
    import jax
    _d = setup_inputs()
    print(jax.jit(kernel)(*tuple(_d.values())))

</pallas_src>

<mosaic_0001>
#map = affine_map<(d0, d1) -> (0, 0)>
#map1 = affine_map<(d0, d1) -> (0)>
module attributes {stable_mosaic.version = 14 : i64} {
  func.func @gather_kernel(%arg0: i32, %arg1: i32, %arg2: memref<2048x128xi32, #tpu.memory_space<hbm>>, %arg3: memref<8192xi32, #tpu.memory_space<hbm>>, %arg4: memref<8192x128xi32, #tpu.memory_space<hbm>>, %arg5: memref<256xi32, #tpu.memory_space<vmem>>, %arg6: memref<128x128xi32, #tpu.memory_space<vmem>>, %arg7: memref<128x128xi32, #tpu.memory_space<vmem>>, %arg8: memref<!tpu.dma_semaphore, #tpu.memory_space<semaphore_mem>>, %arg9: memref<!tpu.dma_semaphore, #tpu.memory_space<semaphore_mem>>, %arg10: memref<!tpu.dma_semaphore, #tpu.memory_space<semaphore_mem>>, %arg11: memref<!tpu.dma_semaphore, #tpu.memory_space<semaphore_mem>>) attributes {dimension_semantics = [#tpu.dimension_semantics<core_parallel>, #tpu.dimension_semantics<subcore_parallel>], iteration_bounds = array<i64: 2, 16>, scalar_prefetch = 0 : i64, scratch_operands = 7 : i64, tpu.core_type = #tpu.core_type<sc_vector_subcore>, window_params = [{transform_indices = #map}, {transform_indices = #map1}, {transform_indices = #map}]} {
    %mul3A = arith.constant 2 : i32
    %mul3A_0 = arith.muli %arg1, %mul3A : i32
    %add3A = arith.addi %mul3A_0, %arg0 : i32
    %mul3A_1 = arith.constant 256 : i32
    %mul3A_2 = arith.muli %add3A, %mul3A_1 : i32
    "tpu.region"() ({
      %run_scoped3A = tpu.sem_alloc : memref<!tpu.dma_semaphore, #tpu.memory_space<semaphore_mem>>
      %dma_start3A_41 = tpu.memref_slice %arg3[%mul3A_2] : memref<8192xi32, #tpu.memory_space<hbm>> -> memref<256xi32, #tpu.memory_space<hbm>>
      %dma_start3A_42 = tpu.memref_slice %arg3[%mul3A_2] : memref<8192xi32, #tpu.memory_space<hbm>> -> memref<256xi32, #tpu.memory_space<hbm>>
      tpu.enqueue_dma source(%dma_start3A_42 : memref<256xi32, #tpu.memory_space<hbm>>) target(%arg5 : memref<256xi32, #tpu.memory_space<vmem>>) target_semaphore(%run_scoped3A : memref<!tpu.dma_semaphore, #tpu.memory_space<semaphore_mem>>)
      %dma_wait3A_43 = tpu.memref_slice %arg3[%mul3A_2] : memref<8192xi32, #tpu.memory_space<hbm>> -> memref<256xi32, #tpu.memory_space<hbm>>
      %dma_wait3A_44 = tpu.memref_slice %arg3[%mul3A_2] : memref<8192xi32, #tpu.memory_space<hbm>> -> memref<256xi32, #tpu.memory_space<hbm>>
      tpu.wait_dma2 semaphore(%run_scoped3A : memref<!tpu.dma_semaphore, #tpu.memory_space<semaphore_mem>>) src(%dma_wait3A_44 : memref<256xi32, #tpu.memory_space<hbm>>) dst(%arg5 : memref<256xi32, #tpu.memory_space<vmem>>)
      tpu.yield
    }) : () -> ()
    %dma_start3A = arith.constant 0 : i32
    %dma_start3A_3 = tpu.memref_slice %arg5[%dma_start3A] : memref<256xi32, #tpu.memory_space<vmem>> -> memref<128xi32, #tpu.memory_space<vmem>>
    %dma_start3A_4 = arith.constant 0 : i32
    %dma_start3A_5 = arith.constant 0 : i32
    %dma_start3A_6 = tpu.memref_slice %arg2[%dma_start3A_4, %dma_start3A_5] : memref<2048x128xi32, #tpu.memory_space<hbm>> -> memref<2048x128xi32, #tpu.memory_space<hbm>>
    tpu.enqueue_indirect_dma source(%dma_start3A_6 : memref<2048x128xi32, #tpu.memory_space<hbm>>) target(%arg6 : memref<128x128xi32, #tpu.memory_space<vmem>>) offsets(%dma_start3A_3 : memref<128xi32, #tpu.memory_space<vmem>>) semaphore(%arg8 : memref<!tpu.dma_semaphore, #tpu.memory_space<semaphore_mem>>)
    %dma_start3A_7 = arith.constant 128 : i32
    %dma_start3A_8 = tpu.memref_slice %arg5[%dma_start3A_7] : memref<256xi32, #tpu.memory_space<vmem>> -> memref<128xi32, #tpu.memory_space<vmem>>
    %dma_start3A_9 = arith.constant 0 : i32
    %dma_start3A_10 = arith.constant 0 : i32
    %dma_start3A_11 = tpu.memref_slice %arg2[%dma_start3A_9, %dma_start3A_10] : memref<2048x128xi32, #tpu.memory_space<hbm>> -> memref<2048x128xi32, #tpu.memory_space<hbm>>
    tpu.enqueue_indirect_dma source(%dma_start3A_11 : memref<2048x128xi32, #tpu.memory_space<hbm>>) target(%arg7 : memref<128x128xi32, #tpu.memory_space<vmem>>) offsets(%dma_start3A_8 : memref<128xi32, #tpu.memory_space<vmem>>) semaphore(%arg9 : memref<!tpu.dma_semaphore, #tpu.memory_space<semaphore_mem>>)
    %dma_wait3A = arith.constant 0 : i32
    %dma_wait3A_12 = tpu.memref_slice %arg5[%dma_wait3A] : memref<256xi32, #tpu.memory_space<vmem>> -> memref<128xi32, #tpu.memory_space<vmem>>
    %dma_wait3A_13 = arith.constant 0 : i32
    %dma_wait3A_14 = arith.constant 0 : i32
    %dma_wait3A_15 = tpu.memref_slice %arg2[%dma_wait3A_13, %dma_wait3A_14] : memref<2048x128xi32, #tpu.memory_space<hbm>> -> memref<2048x128xi32, #tpu.memory_space<hbm>>
    tpu.wait_indirect_dma semaphore(%arg8 : memref<!tpu.dma_semaphore, #tpu.memory_space<semaphore_mem>>) src(%dma_wait3A_15 : memref<2048x128xi32, #tpu.memory_space<hbm>>) dst(%arg6 : memref<128x128xi32, #tpu.memory_space<vmem>>)
    %add3A_16 = arith.constant 0 : i32
    %add3A_17 = arith.addi %mul3A_2, %add3A_16 : i32
    %dma_start3A_18 = arith.constant 0 : i32
    %dma_start3A_19 = tpu.memref_slice %arg4[%add3A_17, %dma_start3A_18] : memref<8192x128xi32, #tpu.memory_space<hbm>> -> memref<128x128xi32, #tpu.memory_space<hbm>>
    %dma_start3A_20 = arith.constant 0 : i32
    %dma_start3A_21 = tpu.memref_slice %arg4[%add3A_17, %dma_start3A_20] : memref<8192x128xi32, #tpu.memory_space<hbm>> -> memref<128x128xi32, #tpu.memory_space<hbm>>
    tpu.enqueue_dma source(%arg6 : memref<128x128xi32, #tpu.memory_space<vmem>>) target(%dma_start3A_21 : memref<128x128xi32, #tpu.memory_space<hbm>>) target_semaphore(%arg10 : memref<!tpu.dma_semaphore, #tpu.memory_space<semaphore_mem>>)
    %dma_wait3A_22 = arith.constant 128 : i32
    %dma_wait3A_23 = tpu.memref_slice %arg5[%dma_wait3A_22] : memref<256xi32, #tpu.memory_space<vmem>> -> memref<128xi32, #tpu.memory_space<vmem>>
    %dma_wait3A_24 = arith.constant 0 : i32
    %dma_wait3A_25 = arith.constant 0 : i32
    %dma_wait3A_26 = tpu.memref_slice %arg2[%dma_wait3A_24, %dma_wait3A_25] : memref<2048x128xi32, #tpu.memory_space<hbm>> -> memref<2048x128xi32, #tpu.memory_space<hbm>>
    tpu.wait_indirect_dma semaphore(%arg9 : memref<!tpu.dma_semaphore, #tpu.memory_space<semaphore_mem>>) src(%dma_wait3A_26 : memref<2048x128xi32, #tpu.memory_space<hbm>>) dst(%arg7 : memref<128x128xi32, #tpu.memory_space<vmem>>)
    %add3A_27 = arith.constant 128 : i32
    %add3A_28 = arith.addi %mul3A_2, %add3A_27 : i32
    %dma_start3A_29 = arith.constant 0 : i32
    %dma_start3A_30 = tpu.memref_slice %arg4[%add3A_28, %dma_start3A_29] : memref<8192x128xi32, #tpu.memory_space<hbm>> -> memref<128x128xi32, #tpu.memory_space<hbm>>
    %dma_start3A_31 = arith.constant 0 : i32
    %dma_start3A_32 = tpu.memref_slice %arg4[%add3A_28, %dma_start3A_31] : memref<8192x128xi32, #tpu.memory_space<hbm>> -> memref<128x128xi32, #tpu.memory_space<hbm>>
    tpu.enqueue_dma source(%arg7 : memref<128x128xi32, #tpu.memory_space<vmem>>) target(%dma_start3A_32 : memref<128x128xi32, #tpu.memory_space<hbm>>) target_semaphore(%arg11 : memref<!tpu.dma_semaphore, #tpu.memory_space<semaphore_mem>>)
    %dma_wait3A_33 = arith.constant 0 : i32
    %dma_wait3A_34 = tpu.memref_slice %arg4[%add3A_17, %dma_wait3A_33] : memref<8192x128xi32, #tpu.memory_space<hbm>> -> memref<128x128xi32, #tpu.memory_space<hbm>>
    %dma_wait3A_35 = arith.constant 0 : i32
    %dma_wait3A_36 = tpu.memref_slice %arg4[%add3A_17, %dma_wait3A_35] : memref<8192x128xi32, #tpu.memory_space<hbm>> -> memref<128x128xi32, #tpu.memory_space<hbm>>
    tpu.wait_dma2 semaphore(%arg10 : memref<!tpu.dma_semaphore, #tpu.memory_space<semaphore_mem>>) src(%arg6 : memref<128x128xi32, #tpu.memory_space<vmem>>) dst(%dma_wait3A_36 : memref<128x128xi32, #tpu.memory_space<hbm>>)
    %dma_wait3A_37 = arith.constant 0 : i32
    %dma_wait3A_38 = tpu.memref_slice %arg4[%add3A_28, %dma_wait3A_37] : memref<8192x128xi32, #tpu.memory_space<hbm>> -> memref<128x128xi32, #tpu.memory_space<hbm>>
    %dma_wait3A_39 = arith.constant 0 : i32
    %dma_wait3A_40 = tpu.memref_slice %arg4[%add3A_28, %dma_wait3A_39] : memref<8192x128xi32, #tpu.memory_space<hbm>> -> memref<128x128xi32, #tpu.memory_space<hbm>>
    tpu.wait_dma2 semaphore(%arg11 : memref<!tpu.dma_semaphore, #tpu.memory_space<semaphore_mem>>) src(%arg7 : memref<128x128xi32, #tpu.memory_space<vmem>>) dst(%dma_wait3A_40 : memref<128x128xi32, #tpu.memory_space<hbm>>)
    return
  }
}

#map = affine_map<(d0, d1) -> (0, 0)>
#map1 = affine_map<(d0, d1) -> (0)>
module attributes {stable_mosaic.version = 14 : i64} {
  func.func @gather_kernel(%arg0: i32, %arg1: i32, %arg2: memref<2048x128xi32, #tpu.memory_space<hbm>>, %arg3: memref<8192xi32, #tpu.memory_space<hbm>>, %arg4: memref<8192x128xi32, #tpu.memory_space<hbm>>, %arg5: memref<256xi32, #tpu.memory_space<vmem>>, %arg6: memref<128x128xi32, #tpu.memory_space<vmem>>, %arg7: memref<128x128xi32, #tpu.memory_space<vmem>>, %arg8: memref<!tpu.dma_semaphore, #tpu.memory_space<semaphore_mem>>, %arg9: memref<!tpu.dma_semaphore, #tpu.memory_space<semaphore_mem>>, %arg10: memref<!tpu.dma_semaphore, #tpu.memory_space<semaphore_mem>>, %arg11: memref<!tpu.dma_semaphore, #tpu.memory_space<semaphore_mem>>) attributes {dimension_semantics = [#tpu.dimension_semantics<core_parallel>, #tpu.dimension_semantics<subcore_parallel>], iteration_bounds = array<i64: 2, 16>, scalar_prefetch = 0 : i64, scratch_operands = 7 : i64, tpu.core_type = #tpu.core_type<sc_vector_subcore>, window_params = [{transform_indices = #map}, {transform_indices = #map1}, {transform_indices = #map}]} {
    %mul3A = arith.constant 2 : i32
    %mul3A_0 = arith.muli %arg1, %mul3A : i32
    %add3A = arith.addi %mul3A_0, %arg0 : i32
    %mul3A_1 = arith.constant 256 : i32
    %mul3A_2 = arith.muli %add3A, %mul3A_1 : i32
    "tpu.region"() ({
      %run_scoped3A = tpu.sem_alloc : memref<!tpu.dma_semaphore, #tpu.memory_space<semaphore_mem>>
      %dma_start3A_41 = tpu.memref_slice %arg3[%mul3A_2] : memref<8192xi32, #tpu.memory_space<hbm>> -> memref<256xi32, #tpu.memory_space<hbm>>
      %dma_start3A_42 = tpu.memref_slice %arg3[%mul3A_2] : memref<8192xi32, #tpu.memory_space<hbm>> -> memref<256xi32, #tpu.memory_space<hbm>>
      tpu.enqueue_dma source(%dma_start3A_42 : memref<256xi32, #tpu.memory_space<hbm>>) target(%arg5 : memref<256xi32, #tpu.memory_space<vmem>>) target_semaphore(%run_scoped3A : memref<!tpu.dma_semaphore, #tpu.memory_space<semaphore_mem>>)
      %dma_wait3A_43 = tpu.memref_slice %arg3[%mul3A_2] : memref<8192xi32, #tpu.memory_space<hbm>> -> memref<256xi32, #tpu.memory_space<hbm>>
      %dma_wait3A_44 = tpu.memref_slice %arg3[%mul3A_2] : memref<8192xi32, #tpu.memory_space<hbm>> -> memref<256xi32, #tpu.memory_space<hbm>>
      tpu.wait_dma2 semaphore(%run_scoped3A : memref<!tpu.dma_semaphore, #tpu.memory_space<semaphore_mem>>) src(%dma_wait3A_44 : memref<256xi32, #tpu.memory_space<hbm>>) dst(%arg5 : memref<256xi32, #tpu.memory_space<vmem>>)
      tpu.yield
    }) : () -> ()
    %dma_start3A = arith.constant 0 : i32
    %dma_start3A_3 = tpu.memref_slice %arg5[%dma_start3A] : memref<256xi32, #tpu.memory_space<vmem>> -> memref<128xi32, #tpu.memory_space<vmem>>
    %dma_start3A_4 = arith.constant 0 : i32
    %dma_start3A_5 = arith.constant 0 : i32
    %dma_start3A_6 = tpu.memref_slice %arg2[%dma_start3A_4, %dma_start3A_5] : memref<2048x128xi32, #tpu.memory_space<hbm>> -> memref<2048x128xi32, #tpu.memory_space<hbm>>
    tpu.enqueue_indirect_dma source(%dma_start3A_6 : memref<2048x128xi32, #tpu.memory_space<hbm>>) target(%arg6 : memref<128x128xi32, #tpu.memory_space<vmem>>) offsets(%dma_start3A_3 : memref<128xi32, #tpu.memory_space<vmem>>) semaphore(%arg8 : memref<!tpu.dma_semaphore, #tpu.memory_space<semaphore_mem>>)
    %dma_start3A_7 = arith.constant 128 : i32
    %dma_start3A_8 = tpu.memref_slice %arg5[%dma_start3A_7] : memref<256xi32, #tpu.memory_space<vmem>> -> memref<128xi32, #tpu.memory_space<vmem>>
    %dma_start3A_9 = arith.constant 0 : i32
    %dma_start3A_10 = arith.constant 0 : i32
    %dma_start3A_11 = tpu.memref_slice %arg2[%dma_start3A_9, %dma_start3A_10] : memref<2048x128xi32, #tpu.memory_space<hbm>> -> memref<2048x128xi32, #tpu.memory_space<hbm>>
    tpu.enqueue_indirect_dma source(%dma_start3A_11 : memref<2048x128xi32, #tpu.memory_space<hbm>>) target(%arg7 : memref<128x128xi32, #tpu.memory_space<vmem>>) offsets(%dma_start3A_8 : memref<128xi32, #tpu.memory_space<vmem>>) semaphore(%arg9 : memref<!tpu.dma_semaphore, #tpu.memory_space<semaphore_mem>>)
    %dma_wait3A = arith.constant 0 : i32
    %dma_wait3A_12 = tpu.memref_slice %arg5[%dma_wait3A] : memref<256xi32, #tpu.memory_space<vmem>> -> memref<128xi32, #tpu.memory_space<vmem>>
    %dma_wait3A_13 = arith.constant 0 : i32
    %dma_wait3A_14 = arith.constant 0 : i32
    %dma_wait3A_15 = tpu.memref_slice %arg2[%dma_wait3A_13, %dma_wait3A_14] : memref<2048x128xi32, #tpu.memory_space<hbm>> -> memref<2048x128xi32, #tpu.memory_space<hbm>>
    tpu.wait_indirect_dma semaphore(%arg8 : memref<!tpu.dma_semaphore, #tpu.memory_space<semaphore_mem>>) src(%dma_wait3A_15 : memref<2048x128xi32, #tpu.memory_space<hbm>>) dst(%arg6 : memref<128x128xi32, #tpu.memory_space<vmem>>)
    %add3A_16 = arith.constant 0 : i32
    %add3A_17 = arith.addi %mul3A_2, %add3A_16 : i32
    %dma_start3A_18 = arith.constant 0 : i32
    %dma_start3A_19 = tpu.memref_slice %arg4[%add3A_17, %dma_start3A_18] : memref<8192x128xi32, #tpu.memory_space<hbm>> -> memref<128x128xi32, #tpu.memory_space<hbm>>
    %dma_start3A_20 = arith.constant 0 : i32
    %dma_start3A_21 = tpu.memref_slice %arg4[%add3A_17, %dma_start3A_20] : memref<8192x128xi32, #tpu.memory_space<hbm>> -> memref<128x128xi32, #tpu.memory_space<hbm>>
    tpu.enqueue_dma source(%arg6 : memref<128x128xi32, #tpu.memory_space<vmem>>) target(%dma_start3A_21 : memref<128x128xi32, #tpu.memory_space<hbm>>) target_semaphore(%arg10 : memref<!tpu.dma_semaphore, #tpu.memory_space<semaphore_mem>>)
    %dma_wait3A_22 = arith.constant 128 : i32
    %dma_wait3A_23 = tpu.memref_slice %arg5[%dma_wait3A_22] : memref<256xi32, #tpu.memory_space<vmem>> -> memref<128xi32, #tpu.memory_space<vmem>>
    %dma_wait3A_24 = arith.constant 0 : i32
    %dma_wait3A_25 = arith.constant 0 : i32
    %dma_wait3A_26 = tpu.memref_slice %arg2[%dma_wait3A_24, %dma_wait3A_25] : memref<2048x128xi32, #tpu.memory_space<hbm>> -> memref<2048x128xi32, #tpu.memory_space<hbm>>
    tpu.wait_indirect_dma semaphore(%arg9 : memref<!tpu.dma_semaphore, #tpu.memory_space<semaphore_mem>>) src(%dma_wait3A_26 : memref<2048x128xi32, #tpu.memory_space<hbm>>) dst(%arg7 : memref<128x128xi32, #tpu.memory_space<vmem>>)
    %add3A_27 = arith.constant 128 : i32
    %add3A_28 = arith.addi %mul3A_2, %add3A_27 : i32
    %dma_start3A_29 = arith.constant 0 : i32
    %dma_start3A_30 = tpu.memref_slice %arg4[%add3A_28, %dma_start3A_29] : memref<8192x128xi32, #tpu.memory_space<hbm>> -> memref<128x128xi32, #tpu.memory_space<hbm>>
    %dma_start3A_31 = arith.constant 0 : i32
    %dma_start3A_32 = tpu.memref_slice %arg4[%add3A_28, %dma_start3A_31] : memref<8192x128xi32, #tpu.memory_space<hbm>> -> memref<128x128xi32, #tpu.memory_space<hbm>>
    tpu.enqueue_dma source(%arg7 : memref<128x128xi32, #tpu.memory_space<vmem>>) target(%dma_start3A_32 : memref<128x128xi32, #tpu.memory_space<hbm>>) target_semaphore(%arg11 : memref<!tpu.dma_semaphore, #tpu.memory_space<semaphore_mem>>)
    %dma_wait3A_33 = arith.constant 0 : i32
    %dma_wait3A_34 = tpu.memref_slice %arg4[%add3A_17, %dma_wait3A_33] : memref<8192x128xi32, #tpu.memory_space<hbm>> -> memref<128x128xi32, #tpu.memory_space<hbm>>
    %dma_wait3A_35 = arith.constant 0 : i32
    %dma_wait3A_36 = tpu.memref_slice %arg4[%add3A_17, %dma_wait3A_35] : memref<8192x128xi32, #tpu.memory_space<hbm>> -> memref<128x128xi32, #tpu.memory_space<hbm>>
    tpu.wait_dma2 semaphore(%arg10 : memref<!tpu.dma_semaphore, #tpu.memory_space<semaphore_mem>>) src(%arg6 : memref<128x128xi32, #tpu.memory_space<vmem>>) dst(%dma_wait3A_36 : memref<128x128xi32, #tpu.memory_space<hbm>>)
    %dma_wait3A_37 = arith.constant 0 : i32
    %dma_wait3A_38 = tpu.memref_slice %arg4[%add3A_28, %dma_wait3A_37] : memref<8192x128xi32, #tpu.memory_space<hbm>> -> memref<128x128xi32, #tpu.memory_space<hbm>>
    %dma_wait3A_39 = arith.constant 0 : i32
    %dma_wait3A_40 = tpu.memref_slice %arg4[%add3A_28, %dma_wait3A_39] : memref<8192x128xi32, #tpu.memory_space<hbm>> -> memref<128x128xi32, #tpu.memory_space<hbm>>
    tpu.wait_dma2 semaphore(%arg11 : memref<!tpu.dma_semaphore, #tpu.memory_space<semaphore_mem>>) src(%arg7 : memref<128x128xi32, #tpu.memory_space<vmem>>) dst(%dma_wait3A_40 : memref<128x128xi32, #tpu.memory_space<hbm>>)
    return
  }
}

module attributes {stable_mosaic.version = 14 : i64} {
  func.func @_lambda_(%arg0: i32, %arg1: i32, %arg2: memref<1x256x512xf32, #tpu.memory_space<vmem>>, %arg3: memref<1x256x512xf32, #tpu.memory_space<vmem>>, %arg4: memref<1x256x512xf32, #tpu.memory_space<vmem>>, %arg5: memref<1x256x512xf32, #tpu.memory_space<vmem>>, %arg6: memref<4x512x256xf32, #tpu.memory_space<vmem>>, %arg7: memref<4x1x256xf32, #tpu.memory_space<vmem>>, %arg8: memref<1x256x128xi32, #tpu.memory_space<vmem>>, %arg9: memref<1x256xf32, #tpu.memory_space<vmem>>, %arg10: memref<1x256xf32, #tpu.memory_space<vmem>>, %arg11: memref<8x2048x256xf32, #tpu.memory_space<any>>, %arg12: memref<1x256x256xf32, #tpu.memory_space<vmem>>) attributes {dimension_semantics = [#tpu.dimension_semantics<arbitrary>, #tpu.dimension_semantics<arbitrary>], iteration_bounds = array<i64: 4, 8>, scalar_prefetch = 0 : i64, scratch_operands = 0 : i64, tpu.core_type = #tpu.core_type<tc>, window_params = [{transform_indices = @transform_0, window_bounds = array<i64: 1, 256, 512>}, {transform_indices = @transform_1, window_bounds = array<i64: 1, 256, 512>}, {transform_indices = @transform_2, window_bounds = array<i64: 1, 256, 512>}, {transform_indices = @transform_3, window_bounds = array<i64: 1, 256, 512>}, {pipeline_mode = #tpu.pipeline_mode<synchronous>, transform_indices = @transform_4, window_bounds = array<i64: 4, 512, 256>}, {pipeline_mode = #tpu.pipeline_mode<synchronous>, transform_indices = @transform_5, window_bounds = array<i64: 4, 1, 256>}, {transform_indices = @transform_6, window_bounds = array<i64: 1, 256, 128>}, {pipeline_mode = #tpu.pipeline_mode<synchronous>, transform_indices = @transform_7, window_bounds = array<i64: 1, 256>}, {pipeline_mode = #tpu.pipeline_mode<synchronous>, transform_indices = @transform_8, window_bounds = array<i64: 1, 256>}, {}, {transform_indices = @transform_10, window_bounds = array<i64: 1, 256, 256>}]} {
    %ge3A = arith.constant 4 : i32
    %ge3A_0 = arith.cmpi sge, %arg1, %ge3A : i32
    %convert_element_type3A = arith.extui %ge3A_0 : i1 to i32
    %ge3A_1 = arith.constant 6 : i32
    %ge3A_2 = arith.cmpi sge, %arg1, %ge3A_1 : i32
    %convert_element_type3A_3 = arith.extui %ge3A_2 : i1 to i32
    %add3A = arith.addi %convert_element_type3A, %convert_element_type3A_3 : i32
    %ge3A_4 = arith.constant 7 : i32
    %ge3A_5 = arith.cmpi sge, %arg1, %ge3A_4 : i32
    %convert_element_type3A_6 = arith.extui %ge3A_5 : i1 to i32
    %add3A_7 = arith.addi %add3A, %convert_element_type3A_6 : i32
    %eq3A = arith.constant 0 : i32
    %eq3A_8 = arith.cmpi eq, %add3A_7, %eq3A : i32
    %convert_element_type3A_9 = arith.extui %eq3A_8 : i1 to i32
    %cond3A = arith.constant 0 : i32
    %cond3A_10 = arith.cmpi ne, %convert_element_type3A_9, %cond3A : i32
    scf.if %cond3A_10 {
      %get3A = arith.constant 0 : index
      %get3A_26 = arith.constant 0 : index
      %get3A_27 = arith.constant 0 : index
      %get3A_28 = vector.load %arg2[%get3A, %get3A_26, %get3A_27] : memref<1x256x512xf32, #tpu.memory_space<vmem>>, vector<1x256x512xf32>
      %get3A_29 = vector.shape_cast %get3A_28 : vector<1x256x512xf32> to vector<256x512xf32>
      %get3A_30 = arith.constant 0 : index
      %get3A_31 = arith.constant 0 : index
      %get3A_32 = arith.constant 0 : index
      %get3A_33 = vector.load %arg8[%get3A_30, %get3A_31, %get3A_32] : memref<1x256x128xi32, #tpu.memory_space<vmem>>, vector<1x256x128xi32>
      %get3A_34 = vector.shape_cast %get3A_33 : vector<1x256x128xi32> to vector<256x128xi32>
      %shift_left3A = arith.constant 16 : i32
      %shift_left3A_35 = vector.broadcast %shift_left3A : i32 to vector<256x128xi32>
      %shift_left3A_36 = arith.shli %get3A_34, %shift_left3A_35 : vector<256x128xi32>
      %bitcast_convert_type3A = tpu.bitcast %shift_left3A_36 : vector<256x128xi32> -> vector<256x128xf32>
      %and3A = arith.constant -65536 : i32
      %and3A_37 = vector.broadcast %and3A : i32 to vector<256x128xi32>
      %and3A_38 = arith.andi %get3A_34, %and3A_37 : vector<256x128xi32>
      %bitcast_convert_type3A_39 = tpu.bitcast %and3A_38 : vector<256x128xi32> -> vector<256x128xf32>
      %concatenate3A = tpu.concatenate %bitcast_convert_type3A, %bitcast_convert_type3A_39 in 1 : vector<256x128xf32>, vector<256x128xf32> -> vector<256x256xf32>
      %get3A_40 = arith.constant 0 : index
      %get3A_41 = arith.constant 0 : index
      %get3A_42 = arith.constant 0 : index
      %get3A_43 = vector.load %arg6[%get3A_40, %get3A_41, %get3A_42] : memref<4x512x256xf32, #tpu.memory_space<vmem>>, vector<1x512x256xf32>
      %get3A_44 = vector.shape_cast %get3A_43 : vector<1x512x256xf32> to vector<512x256xf32>
      %dot_general3A = arith.constant dense<0.000000e+00> : vector<256x256xf32>
      %dot_general3A_45 = tpu.matmul %get3A_29, %get3A_44, %dot_general3A {dimension_numbers = #tpu.dot_dimension_numbers<[1], [0], [0], [1], [0, 0, 1, 1], [], []>, transpose_lhs_hint = false} : vector<256x512xf32>, vector<512x256xf32>, vector<256x256xf32> -> vector<256x256xf32>
      %get3A_46 = arith.constant 0 : index
      %get3A_47 = arith.constant 0 : index
      %get3A_48 = arith.constant 0 : index
      %get3A_49 = vector.load %arg7[%get3A_46, %get3A_47, %get3A_48] : memref<4x1x256xf32, #tpu.memory_space<vmem>>, vector<1x1x256xf32>
      %get3A_50 = vector.shape_cast %get3A_49 : vector<1x1x256xf32> to vector<1x256xf32>
      %add3A_51 = vector.broadcast %get3A_50 : vector<1x256xf32> to vector<256x256xf32>
      %add3A_52 = arith.addf %dot_general3A_45, %add3A_51 : vector<256x256xf32>
      %add3A_53 = arith.addf %add3A_52, %concatenate3A : vector<256x256xf32>
      %reduce_sum3A = arith.constant dense<0.000000e+00> : vector<256xf32>
      %reduce_sum3A_54 = vector.multi_reduction <add>, %add3A_53, %reduce_sum3A [1] : vector<256x256xf32> to vector<256xf32>
      %broadcast_in_dim3A = vector.shape_cast %reduce_sum3A_54 : vector<256xf32> to vector<256x1xf32>
      %div3A = arith.constant 2.560000e+02 : f32
      %div3A_55 = vector.broadcast %div3A : f32 to vector<256x1xf32>
      %div3A_56 = arith.divf %broadcast_in_dim3A, %div3A_55 : vector<256x1xf32>
      %sub3A = vector.broadcast %div3A_56 : vector<256x1xf32> to vector<256x256xf32>
      %sub3A_57 = arith.subf %add3A_53, %sub3A : vector<256x256xf32>
      %integer_pow3A = arith.mulf %sub3A_57, %sub3A_57 : vector<256x256xf32>
      %reduce_sum3A_58 = arith.constant dense<0.000000e+00> : vector<256xf32>
      %reduce_sum3A_59 = vector.multi_reduction <add>, %integer_pow3A, %reduce_sum3A_58 [1] : vector<256x256xf32> to vector<256xf32>
      %broadcast_in_dim3A_60 = vector.shape_cast %reduce_sum3A_59 : vector<256xf32> to vector<256x1xf32>
      %div3A_61 = arith.constant 2.560000e+02 : f32
      %div3A_62 = vector.broadcast %div3A_61 : f32 to vector<256x1xf32>
      %div3A_63 = arith.divf %broadcast_in_dim3A_60, %div3A_62 : vector<256x1xf32>
      %sub3A_64 = vector.broadcast %div3A_56 : vector<256x1xf32> to vector<256x256xf32>
      %sub3A_65 = arith.subf %add3A_53, %sub3A_64 : vector<256x256xf32>
      %add3A_66 = arith.constant 9.99999996E-13 : f32
      %add3A_67 = vector.broadcast %add3A_66 : f32 to vector<256x1xf32>
      %add3A_68 = arith.addf %div3A_63, %add3A_67 : vector<256x1xf32>
      %rsqrt3A = math.rsqrt %add3A_68 : vector<256x1xf32>
      %mul3A = vector.broadcast %rsqrt3A : vector<256x1xf32> to vector<256x256xf32>
      %mul3A_69 = arith.mulf %sub3A_65, %mul3A : vector<256x256xf32>
      %get3A_70 = arith.constant 0 : index
      %get3A_71 = arith.constant 0 : index
      %get3A_72 = vector.load %arg9[%get3A_70, %get3A_71] : memref<1x256xf32, #tpu.memory_space<vmem>>, vector<1x256xf32>
      %mul3A_73 = vector.broadcast %get3A_72 : vector<1x256xf32> to vector<256x256xf32>
      %mul3A_74 = arith.mulf %mul3A_69, %mul3A_73 : vector<256x256xf32>
      %get3A_75 = arith.constant 0 : index
      %get3A_76 = arith.constant 0 : index
      %get3A_77 = vector.load %arg10[%get3A_75, %get3A_76] : memref<1x256xf32, #tpu.memory_space<vmem>>, vector<1x256xf32>
      %add3A_78 = vector.broadcast %get3A_77 : vector<1x256xf32> to vector<256x256xf32>
      %add3A_79 = arith.addf %mul3A_74, %add3A_78 : vector<256x256xf32>
      %swap3A = arith.constant 0 : index
      %swap3A_80 = arith.constant 0 : index
      %swap3A_81 = arith.constant 0 : index
      %swap3A_82 = vector.load %arg12[%swap3A, %swap3A_80, %swap3A_81] : memref<1x256x256xf32, #tpu.memory_space<vmem>>, vector<1x256x256xf32>
      %swap3A_83 = vector.shape_cast %swap3A_82 : vector<1x256x256xf32> to vector<256x256xf32>
      %swap3A_84 = vector.shape_cast %add3A_79 : vector<256x256xf32> to vector<1x256x256xf32>
      tpu.vector_store %arg12[%swap3A, %swap3A_80, %swap3A_81], %swap3A_84 {strides = array<i32>} : memref<1x256x256xf32, #tpu.memory_space<vmem>>, vector<1x256x256xf32>,
    } else {
    }
    %eq3A_11 = arith.constant 1 : i32
    %eq3A_12 = arith.cmpi eq, %add3A_7, %eq3A_11 : i32
    %convert_element_type3A_13 = arith.extui %eq3A_12 : i1 to i32
    %cond3A_14 = arith.constant 0 : i32
    %cond3A_15 = arith.cmpi ne, %convert_element_type3A_13, %cond3A_14 : i32
    scf.if %cond3A_15 {
      %get3A = arith.constant 0 : index
      %get3A_26 = arith.constant 0 : index
      %get3A_27 = arith.constant 0 : index
      %get3A_28 = vector.load %arg3[%get3A, %get3A_26, %get3A_27] : memref<1x256x512xf32, #tpu.memory_space<vmem>>, vector<1x256x512xf32>
      %get3A_29 = vector.shape_cast %get3A_28 : vector<1x256x512xf32> to vector<256x512xf32>
      %get3A_30 = arith.constant 0 : index
      %get3A_31 = arith.constant 0 : index
      %get3A_32 = arith.constant 0 : index
      %get3A_33 = vector.load %arg8[%get3A_30, %get3A_31, %get3A_32] : memref<1x256x128xi32, #tpu.memory_space<vmem>>, vector<1x256x128xi32>
      %get3A_34 = vector.shape_cast %get3A_33 : vector<1x256x128xi32> to vector<256x128xi32>
      %shift_left3A = arith.constant 16 : i32
      %shift_left3A_35 = vector.broadcast %shift_left3A : i32 to vector<256x128xi32>
      %shift_left3A_36 = arith.shli %get3A_34, %shift_left3A_35 : vector<256x128xi32>
      %bitcast_convert_type3A = tpu.bitcast %shift_left3A_36 : vector<256x128xi32> -> vector<256x128xf32>
      %and3A = arith.constant -65536 : i32
      %and3A_37 = vector.broadcast %and3A : i32 to vector<256x128xi32>
      %and3A_38 = arith.andi %get3A_34, %and3A_37 : vector<256x128xi32>
      %bitcast_convert_type3A_39 = tpu.bitcast %and3A_38 : vector<256x128xi32> -> vector<256x128xf32>
      %concatenate3A = tpu.concatenate %bitcast_convert_type3A, %bitcast_convert_type3A_39 in 1 : vector<256x128xf32>, vector<256x128xf32> -> vector<256x256xf32>
      %get3A_40 = arith.constant 1 : index
      %get3A_41 = arith.constant 0 : index
      %get3A_42 = arith.constant 0 : index
      %get3A_43 = vector.load %arg6[%get3A_40, %get3A_41, %get3A_42] : memref<4x512x256xf32, #tpu.memory_space<vmem>>, vector<1x512x256xf32>
      %get3A_44 = vector.shape_cast %get3A_43 : vector<1x512x256xf32> to vector<512x256xf32>
      %dot_general3A = arith.constant dense<0.000000e+00> : vector<256x256xf32>
      %dot_general3A_45 = tpu.matmul %get3A_29, %get3A_44, %dot_general3A {dimension_numbers = #tpu.dot_dimension_numbers<[1], [0], [0], [1], [0, 0, 1, 1], [], []>, transpose_lhs_hint = false} : vector<256x512xf32>, vector<512x256xf32>, vector<256x256xf32> -> vector<256x256xf32>
      %get3A_46 = arith.constant 1 : index
      %get3A_47 = arith.constant 0 : index
      %get3A_48 = arith.constant 0 : index
      %get3A_49 = vector.load %arg7[%get3A_46, %get3A_47, %get3A_48] : memref<4x1x256xf32, #tpu.memory_space<vmem>>, vector<1x1x256xf32>
      %get3A_50 = vector.shape_cast %get3A_49 : vector<1x1x256xf32> to vector<1x256xf32>
      %add3A_51 = vector.broadcast %get3A_50 : vector<1x256xf32> to vector<256x256xf32>
      %add3A_52 = arith.addf %dot_general3A_45, %add3A_51 : vector<256x256xf32>
      %add3A_53 = arith.addf %add3A_52, %concatenate3A : vector<256x256xf32>
      %reduce_sum3A = arith.constant dense<0.000000e+00> : vector<256xf32>
      %reduce_sum3A_54 = vector.multi_reduction <add>, %add3A_53, %reduce_sum3A [1] : vector<256x256xf32> to vector<256xf32>
      %broadcast_in_dim3A = vector.shape_cast %reduce_sum3A_54 : vector<256xf32> to vector<256x1xf32>
      %div3A = arith.constant 2.560000e+02 : f32
      %div3A_55 = vector.broadcast %div3A : f32 to vector<256x1xf32>
      %div3A_56 = arith.divf %broadcast_in_dim3A, %div3A_55 : vector<256x1xf32>
      %sub3A = vector.broadcast %div3A_56 : vector<256x1xf32> to vector<256x256xf32>
      %sub3A_57 = arith.subf %add3A_53, %sub3A : vector<256x256xf32>
      %integer_pow3A = arith.mulf %sub3A_57, %sub3A_57 : vector<256x256xf32>
      %reduce_sum3A_58 = arith.constant dense<0.000000e+00> : vector<256xf32>
      %reduce_sum3A_59 = vector.multi_reduction <add>, %integer_pow3A, %reduce_sum3A_58 [1] : vector<256x256xf32> to vector<256xf32>
      %broadcast_in_dim3A_60 = vector.shape_cast %reduce_sum3A_59 : vector<256xf32> to vector<256x1xf32>
      %div3A_61 = arith.constant 2.560000e+02 : f32
      %div3A_62 = vector.broadcast %div3A_61 : f32 to vector<256x1xf32>
      %div3A_63 = arith.divf %broadcast_in_dim3A_60, %div3A_62 : vector<256x1xf32>
      %sub3A_64 = vector.broadcast %div3A_56 : vector<256x1xf32> to vector<256x256xf32>
      %sub3A_65 = arith.subf %add3A_53, %sub3A_64 : vector<256x256xf32>
      %add3A_66 = arith.constant 9.99999996E-13 : f32
      %add3A_67 = vector.broadcast %add3A_66 : f32 to vector<256x1xf32>
      %add3A_68 = arith.addf %div3A_63, %add3A_67 : vector<256x1xf32>
      %rsqrt3A = math.rsqrt %add3A_68 : vector<256x1xf32>
      %mul3A = vector.broadcast %rsqrt3A : vector<256x1xf32> to vector<256x256xf32>
      %mul3A_69 = arith.mulf %sub3A_65, %mul3A : vector<256x256xf32>
      %get3A_70 = arith.constant 0 : index
      %get3A_71 = arith.constant 0 : index
      %get3A_72 = vector.load %arg9[%get3A_70, %get3A_71] : memref<1x256xf32, #tpu.memory_space<vmem>>, vector<1x256xf32>
      %mul3A_73 = vector.broadcast %get3A_72 : vector<1x256xf32> to vector<256x256xf32>
      %mul3A_74 = arith.mulf %mul3A_69, %mul3A_73 : vector<256x256xf32>
      %get3A_75 = arith.constant 0 : index
      %get3A_76 = arith.constant 0 : index
      %get3A_77 = vector.load %arg10[%get3A_75, %get3A_76] : memref<1x256xf32, #tpu.memory_space<vmem>>, vector<1x256xf32>
      %add3A_78 = vector.broadcast %get3A_77 : vector<1x256xf32> to vector<256x256xf32>
      %add3A_79 = arith.addf %mul3A_74, %add3A_78 : vector<256x256xf32>
      %swap3A = arith.constant 0 : index
      %swap3A_80 = arith.constant 0 : index
      %swap3A_81 = arith.constant 0 : index
      %swap3A_82 = vector.load %arg12[%swap3A, %swap3A_80, %swap3A_81] : memref<1x256x256xf32, #tpu.memory_space<vmem>>, vector<1x256x256xf32>
      %swap3A_83 = vector.shape_cast %swap3A_82 : vector<1x256x256xf32> to vector<256x256xf32>
      %swap3A_84 = vector.shape_cast %add3A_79 : vector<256x256xf32> to vector<1x256x256xf32>
      tpu.vector_store %arg12[%swap3A, %swap3A_80, %swap3A_81], %swap3A_84 {strides = array<i32>} : memref<1x256x256xf32, #tpu.memory_space<vmem>>, vector<1x256x256xf32>,
    } else {
    }
    %eq3A_16 = arith.constant 2 : i32
    %eq3A_17 = arith.cmpi eq, %add3A_7, %eq3A_16 : i32
    %convert_element_type3A_18 = arith.extui %eq3A_17 : i1 to i32
    %cond3A_19 = arith.constant 0 : i32
    %cond3A_20 = arith.cmpi ne, %convert_element_type3A_18, %cond3A_19 : i32
    scf.if %cond3A_20 {
      %get3A = arith.constant 0 : index
      %get3A_26 = arith.constant 0 : index
      %get3A_27 = arith.constant 0 : index
      %get3A_28 = vector.load %arg4[%get3A, %get3A_26, %get3A_27] : memref<1x256x512xf32, #tpu.memory_space<vmem>>, vector<1x256x512xf32>
      %get3A_29 = vector.shape_cast %get3A_28 : vector<1x256x512xf32> to vector<256x512xf32>
      %get3A_30 = arith.constant 0 : index
      %get3A_31 = arith.constant 0 : index
      %get3A_32 = arith.constant 0 : index
      %get3A_33 = vector.load %arg8[%get3A_30, %get3A_31, %get3A_32] : memref<1x256x128xi32, #tpu.memory_space<vmem>>, vector<1x256x128xi32>
      %get3A_34 = vector.shape_cast %get3A_33 : vector<1x256x128xi32> to vector<256x128xi32>
      %shift_left3A = arith.constant 16 : i32
      %shift_left3A_35 = vector.broadcast %shift_left3A : i32 to vector<256x128xi32>
      %shift_left3A_36 = arith.shli %get3A_34, %shift_left3A_35 : vector<256x128xi32>
      %bitcast_convert_type3A = tpu.bitcast %shift_left3A_36 : vector<256x128xi32> -> vector<256x128xf32>
      %and3A = arith.constant -65536 : i32
      %and3A_37 = vector.broadcast %and3A : i32 to vector<256x128xi32>
      %and3A_38 = arith.andi %get3A_34, %and3A_37 : vector<256x128xi32>
      %bitcast_convert_type3A_39 = tpu.bitcast %and3A_38 : vector<256x128xi32> -> vector<256x128xf32>
      %concatenate3A = tpu.concatenate %bitcast_convert_type3A, %bitcast_convert_type3A_39 in 1 : vector<256x128xf32>, vector<256x128xf32> -> vector<256x256xf32>
      %get3A_40 = arith.constant 2 : index
      %get3A_41 = arith.constant 0 : index
      %get3A_42 = arith.constant 0 : index
      %get3A_43 = vector.load %arg6[%get3A_40, %get3A_41, %get3A_42] : memref<4x512x256xf32, #tpu.memory_space<vmem>>, vector<1x512x256xf32>
      %get3A_44 = vector.shape_cast %get3A_43 : vector<1x512x256xf32> to vector<512x256xf32>
      %dot_general3A = arith.constant dense<0.000000e+00> : vector<256x256xf32>
      %dot_general3A_45 = tpu.matmul %get3A_29, %get3A_44, %dot_general3A {dimension_numbers = #tpu.dot_dimension_numbers<[1], [0], [0], [1], [0, 0, 1, 1], [], []>, transpose_lhs_hint = false} : vector<256x512xf32>, vector<512x256xf32>, vector<256x256xf32> -> vector<256x256xf32>
      %get3A_46 = arith.constant 2 : index
      %get3A_47 = arith.constant 0 : index
      %get3A_48 = arith.constant 0 : index
      %get3A_49 = vector.load %arg7[%get3A_46, %get3A_47, %get3A_48] : memref<4x1x256xf32, #tpu.memory_space<vmem>>, vector<1x1x256xf32>
      %get3A_50 = vector.shape_cast %get3A_49 : vector<1x1x256xf32> to vector<1x256xf32>
      %add3A_51 = vector.broadcast %get3A_50 : vector<1x256xf32> to vector<256x256xf32>
      %add3A_52 = arith.addf %dot_general3A_45, %add3A_51 : vector<256x256xf32>
      %add3A_53 = arith.addf %add3A_52, %concatenate3A : vector<256x256xf32>
      %reduce_sum3A = arith.constant dense<0.000000e+00> : vector<256xf32>
      %reduce_sum3A_54 = vector.multi_reduction <add>, %add3A_53, %reduce_sum3A [1] : vector<256x256xf32> to vector<256xf32>
      %broadcast_in_dim3A = vector.shape_cast %reduce_sum3A_54 : vector<256xf32> to vector<256x1xf32>
      %div3A = arith.constant 2.560000e+02 : f32
      %div3A_55 = vector.broadcast %div3A : f32 to vector<256x1xf32>
      %div3A_56 = arith.divf %broadcast_in_dim3A, %div3A_55 : vector<256x1xf32>
      %sub3A = vector.broadcast %div3A_56 : vector<256x1xf32> to vector<256x256xf32>
      %sub3A_57 = arith.subf %add3A_53, %sub3A : vector<256x256xf32>
      %integer_pow3A = arith.mulf %sub3A_57, %sub3A_57 : vector<256x256xf32>
      %reduce_sum3A_58 = arith.constant dense<0.000000e+00> : vector<256xf32>
      %reduce_sum3A_59 = vector.multi_reduction <add>, %integer_pow3A, %reduce_sum3A_58 [1] : vector<256x256xf32> to vector<256xf32>
      %broadcast_in_dim3A_60 = vector.shape_cast %reduce_sum3A_59 : vector<256xf32> to vector<256x1xf32>
      %div3A_61 = arith.constant 2.560000e+02 : f32
      %div3A_62 = vector.broadcast %div3A_61 : f32 to vector<256x1xf32>
      %div3A_63 = arith.divf %broadcast_in_dim3A_60, %div3A_62 : vector<256x1xf32>
      %sub3A_64 = vector.broadcast %div3A_56 : vector<256x1xf32> to vector<256x256xf32>
      %sub3A_65 = arith.subf %add3A_53, %sub3A_64 : vector<256x256xf32>
      %add3A_66 = arith.constant 9.99999996E-13 : f32
      %add3A_67 = vector.broadcast %add3A_66 : f32 to vector<256x1xf32>
      %add3A_68 = arith.addf %div3A_63, %add3A_67 : vector<256x1xf32>
      %rsqrt3A = math.rsqrt %add3A_68 : vector<256x1xf32>
      %mul3A = vector.broadcast %rsqrt3A : vector<256x1xf32> to vector<256x256xf32>
      %mul3A_69 = arith.mulf %sub3A_65, %mul3A : vector<256x256xf32>
      %get3A_70 = arith.constant 0 : index
      %get3A_71 = arith.constant 0 : index
      %get3A_72 = vector.load %arg9[%get3A_70, %get3A_71] : memref<1x256xf32, #tpu.memory_space<vmem>>, vector<1x256xf32>
      %mul3A_73 = vector.broadcast %get3A_72 : vector<1x256xf32> to vector<256x256xf32>
      %mul3A_74 = arith.mulf %mul3A_69, %mul3A_73 : vector<256x256xf32>
      %get3A_75 = arith.constant 0 : index
      %get3A_76 = arith.constant 0 : index
      %get3A_77 = vector.load %arg10[%get3A_75, %get3A_76] : memref<1x256xf32, #tpu.memory_space<vmem>>, vector<1x256xf32>
      %add3A_78 = vector.broadcast %get3A_77 : vector<1x256xf32> to vector<256x256xf32>
      %add3A_79 = arith.addf %mul3A_74, %add3A_78 : vector<256x256xf32>
      %swap3A = arith.constant 0 : index
      %swap3A_80 = arith.constant 0 : index
      %swap3A_81 = arith.constant 0 : index
      %swap3A_82 = vector.load %arg12[%swap3A, %swap3A_80, %swap3A_81] : memref<1x256x256xf32, #tpu.memory_space<vmem>>, vector<1x256x256xf32>
      %swap3A_83 = vector.shape_cast %swap3A_82 : vector<1x256x256xf32> to vector<256x256xf32>
      %swap3A_84 = vector.shape_cast %add3A_79 : vector<256x256xf32> to vector<1x256x256xf32>
      tpu.vector_store %arg12[%swap3A, %swap3A_80, %swap3A_81], %swap3A_84 {strides = array<i32>} : memref<1x256x256xf32, #tpu.memory_space<vmem>>, vector<1x256x256xf32>,
    } else {
    }
    %eq3A_21 = arith.constant 3 : i32
    %eq3A_22 = arith.cmpi eq, %add3A_7, %eq3A_21 : i32
    %convert_element_type3A_23 = arith.extui %eq3A_22 : i1 to i32
    %cond3A_24 = arith.constant 0 : i32
    %cond3A_25 = arith.cmpi ne, %convert_element_type3A_23, %cond3A_24 : i32
    scf.if %cond3A_25 {
      %get3A = arith.constant 0 : index
      %get3A_26 = arith.constant 0 : index
      %get3A_27 = arith.constant 0 : index
      %get3A_28 = vector.load %arg5[%get3A, %get3A_26, %get3A_27] : memref<1x256x512xf32, #tpu.memory_space<vmem>>, vector<1x256x512xf32>
      %get3A_29 = vector.shape_cast %get3A_28 : vector<1x256x512xf32> to vector<256x512xf32>
      %get3A_30 = arith.constant 0 : index
      %get3A_31 = arith.constant 0 : index
      %get3A_32 = arith.constant 0 : index
      %get3A_33 = vector.load %arg8[%get3A_30, %get3A_31, %get3A_32] : memref<1x256x128xi32, #tpu.memory_space<vmem>>, vector<1x256x128xi32>
      %get3A_34 = vector.shape_cast %get3A_33 : vector<1x256x128xi32> to vector<256x128xi32>
      %shift_left3A = arith.constant 16 : i32
      %shift_left3A_35 = vector.broadcast %shift_left3A : i32 to vector<256x128xi32>
      %shift_left3A_36 = arith.shli %get3A_34, %shift_left3A_35 : vector<256x128xi32>
      %bitcast_convert_type3A = tpu.bitcast %shift_left3A_36 : vector<256x128xi32> -> vector<256x128xf32>
      %and3A = arith.constant -65536 : i32
      %and3A_37 = vector.broadcast %and3A : i32 to vector<256x128xi32>
      %and3A_38 = arith.andi %get3A_34, %and3A_37 : vector<256x128xi32>
      %bitcast_convert_type3A_39 = tpu.bitcast %and3A_38 : vector<256x128xi32> -> vector<256x128xf32>
      %concatenate3A = tpu.concatenate %bitcast_convert_type3A, %bitcast_convert_type3A_39 in 1 : vector<256x128xf32>, vector<256x128xf32> -> vector<256x256xf32>
      %get3A_40 = arith.constant 3 : index
      %get3A_41 = arith.constant 0 : index
      %get3A_42 = arith.constant 0 : index
      %get3A_43 = vector.load %arg6[%get3A_40, %get3A_41, %get3A_42] : memref<4x512x256xf32, #tpu.memory_space<vmem>>, vector<1x512x256xf32>
      %get3A_44 = vector.shape_cast %get3A_43 : vector<1x512x256xf32> to vector<512x256xf32>
      %dot_general3A = arith.constant dense<0.000000e+00> : vector<256x256xf32>
      %dot_general3A_45 = tpu.matmul %get3A_29, %get3A_44, %dot_general3A {dimension_numbers = #tpu.dot_dimension_numbers<[1], [0], [0], [1], [0, 0, 1, 1], [], []>, transpose_lhs_hint = false} : vector<256x512xf32>, vector<512x256xf32>, vector<256x256xf32> -> vector<256x256xf32>
      %get3A_46 = arith.constant 3 : index
      %get3A_47 = arith.constant 0 : index
      %get3A_48 = arith.constant 0 : index
      %get3A_49 = vector.load %arg7[%get3A_46, %get3A_47, %get3A_48] : memref<4x1x256xf32, #tpu.memory_space<vmem>>, vector<1x1x256xf32>
      %get3A_50 = vector.shape_cast %get3A_49 : vector<1x1x256xf32> to vector<1x256xf32>
      %add3A_51 = vector.broadcast %get3A_50 : vector<1x256xf32> to vector<256x256xf32>
      %add3A_52 = arith.addf %dot_general3A_45, %add3A_51 : vector<256x256xf32>
      %add3A_53 = arith.addf %add3A_52, %concatenate3A : vector<256x256xf32>
      %reduce_sum3A = arith.constant dense<0.000000e+00> : vector<256xf32>
      %reduce_sum3A_54 = vector.multi_reduction <add>, %add3A_53, %reduce_sum3A [1] : vector<256x256xf32> to vector<256xf32>
      %broadcast_in_dim3A = vector.shape_cast %reduce_sum3A_54 : vector<256xf32> to vector<256x1xf32>
      %div3A = arith.constant 2.560000e+02 : f32
      %div3A_55 = vector.broadcast %div3A : f32 to vector<256x1xf32>
      %div3A_56 = arith.divf %broadcast_in_dim3A, %div3A_55 : vector<256x1xf32>
      %sub3A = vector.broadcast %div3A_56 : vector<256x1xf32> to vector<256x256xf32>
      %sub3A_57 = arith.subf %add3A_53, %sub3A : vector<256x256xf32>
      %integer_pow3A = arith.mulf %sub3A_57, %sub3A_57 : vector<256x256xf32>
      %reduce_sum3A_58 = arith.constant dense<0.000000e+00> : vector<256xf32>
      %reduce_sum3A_59 = vector.multi_reduction <add>, %integer_pow3A, %reduce_sum3A_58 [1] : vector<256x256xf32> to vector<256xf32>
      %broadcast_in_dim3A_60 = vector.shape_cast %reduce_sum3A_59 : vector<256xf32> to vector<256x1xf32>
      %div3A_61 = arith.constant 2.560000e+02 : f32
      %div3A_62 = vector.broadcast %div3A_61 : f32 to vector<256x1xf32>
      %div3A_63 = arith.divf %broadcast_in_dim3A_60, %div3A_62 : vector<256x1xf32>
      %sub3A_64 = vector.broadcast %div3A_56 : vector<256x1xf32> to vector<256x256xf32>
      %sub3A_65 = arith.subf %add3A_53, %sub3A_64 : vector<256x256xf32>
      %add3A_66 = arith.constant 9.99999996E-13 : f32
      %add3A_67 = vector.broadcast %add3A_66 : f32 to vector<256x1xf32>
      %add3A_68 = arith.addf %div3A_63, %add3A_67 : vector<256x1xf32>
      %rsqrt3A = math.rsqrt %add3A_68 : vector<256x1xf32>
      %mul3A = vector.broadcast %rsqrt3A : vector<256x1xf32> to vector<256x256xf32>
      %mul3A_69 = arith.mulf %sub3A_65, %mul3A : vector<256x256xf32>
      %get3A_70 = arith.constant 0 : index
      %get3A_71 = arith.constant 0 : index
      %get3A_72 = vector.load %arg9[%get3A_70, %get3A_71] : memref<1x256xf32, #tpu.memory_space<vmem>>, vector<1x256xf32>
      %mul3A_73 = vector.broadcast %get3A_72 : vector<1x256xf32> to vector<256x256xf32>
      %mul3A_74 = arith.mulf %mul3A_69, %mul3A_73 : vector<256x256xf32>
      %get3A_75 = arith.constant 0 : index
      %get3A_76 = arith.constant 0 : index
      %get3A_77 = vector.load %arg10[%get3A_75, %get3A_76] : memref<1x256xf32, #tpu.memory_space<vmem>>, vector<1x256xf32>
      %add3A_78 = vector.broadcast %get3A_77 : vector<1x256xf32> to vector<256x256xf32>
      %add3A_79 = arith.addf %mul3A_74, %add3A_78 : vector<256x256xf32>
      %swap3A = arith.constant 0 : index
      %swap3A_80 = arith.constant 0 : index
      %swap3A_81 = arith.constant 0 : index
      %swap3A_82 = vector.load %arg12[%swap3A, %swap3A_80, %swap3A_81] : memref<1x256x256xf32, #tpu.memory_space<vmem>>, vector<1x256x256xf32>
      %swap3A_83 = vector.shape_cast %swap3A_82 : vector<1x256x256xf32> to vector<256x256xf32>
      %swap3A_84 = vector.shape_cast %add3A_79 : vector<256x256xf32> to vector<1x256x256xf32>
      tpu.vector_store %arg12[%swap3A, %swap3A_80, %swap3A_81], %swap3A_84 {strides = array<i32>} : memref<1x256x256xf32, #tpu.memory_space<vmem>>, vector<1x256x256xf32>,
    } else {
    }
    return
  }
  func.func @transform_0(%arg0: i32, %arg1: i32) -> (i32, i32, i32) {
    %add3A = arith.constant 4 : i32
    %add3A_0 = arith.addi %arg0, %add3A : i32
    %min3A = arith.constant 3 : i32
    %min3A_1 = arith.minsi %arg1, %min3A : i32
    %c0_i32 = arith.constant 0 : i32
    %c0_i32_2 = arith.constant 0 : i32
    return %add3A_0, %min3A_1, %c0_i32 : i32, i32, i32
  }
  func.func @transform_1(%arg0: i32, %arg1: i32) -> (i32, i32, i32) {
    %add3A = arith.constant 4 : i32
    %add3A_0 = arith.addi %arg0, %add3A : i32
    %sub3A = arith.constant 4 : i32
    %sub3A_1 = arith.subi %arg1, %sub3A : i32
    %jit3A = arith.constant 0 : i32
    %jit3A_2 = arith.constant 1 : i32
    %max3A = arith.maxsi %jit3A, %sub3A_1 : i32
    %min3A = arith.minsi %jit3A_2, %max3A : i32
    %c0_i32 = arith.constant 0 : i32
    %c0_i32_3 = arith.constant 0 : i32
    return %add3A_0, %min3A, %c0_i32 : i32, i32, i32
  }
  func.func @transform_2(%arg0: i32, %arg1: i32) -> (i32, i32, i32) {
    %add3A = arith.constant 4 : i32
    %add3A_0 = arith.addi %arg0, %add3A : i32
    %c0_i32 = arith.constant 0 : i32
    %c0_i32_1 = arith.constant 0 : i32
    %c0_i32_2 = arith.constant 0 : i32
    return %add3A_0, %c0_i32, %c0_i32_1 : i32, i32, i32
  }
  func.func @transform_3(%arg0: i32, %arg1: i32) -> (i32, i32, i32) {
    %add3A = arith.constant 4 : i32
    %add3A_0 = arith.addi %arg0, %add3A : i32
    %c0_i32 = arith.constant 0 : i32
    %c0_i32_1 = arith.constant 0 : i32
    %c0_i32_2 = arith.constant 0 : i32
    return %add3A_0, %c0_i32, %c0_i32_1 : i32, i32, i32
  }
  func.func @transform_4(%arg0: i32, %arg1: i32) -> (i32, i32, i32) {
    %c0_i32 = arith.constant 0 : i32
    %c0_i32_0 = arith.constant 0 : i32
    %c0_i32_1 = arith.constant 0 : i32
    %c0_i32_2 = arith.constant 0 : i32
    return %c0_i32, %c0_i32_0, %c0_i32_1 : i32, i32, i32
  }
  func.func @transform_5(%arg0: i32, %arg1: i32) -> (i32, i32, i32) {
    %c0_i32 = arith.constant 0 : i32
    %c0_i32_0 = arith.constant 0 : i32
    %c0_i32_1 = arith.constant 0 : i32
    %c0_i32_2 = arith.constant 0 : i32
    return %c0_i32, %c0_i32_0, %c0_i32_1 : i32, i32, i32
  }
  func.func @transform_6(%arg0: i32, %arg1: i32) -> (i32, i32, i32) {
    %c0_i32 = arith.constant 0 : i32
    %c0_i32_0 = arith.constant 0 : i32
    return %arg0, %arg1, %c0_i32 : i32, i32, i32
  }
  func.func @transform_7(%arg0: i32, %arg1: i32) -> (i32, i32) {
    %c0_i32 = arith.constant 0 : i32
    %c0_i32_0 = arith.constant 0 : i32
    %c0_i32_1 = arith.constant 0 : i32
    return %c0_i32, %c0_i32_0 : i32, i32
  }
  func.func @transform_8(%arg0: i32, %arg1: i32) -> (i32, i32) {
    %c0_i32 = arith.constant 0 : i32
    %c0_i32_0 = arith.constant 0 : i32
    %c0_i32_1 = arith.constant 0 : i32
    return %c0_i32, %c0_i32_0 : i32, i32
  }
  func.func @transform_10(%arg0: i32, %arg1: i32) -> (i32, i32, i32) {
    %add3A = arith.constant 4 : i32
    %add3A_0 = arith.addi %arg0, %add3A : i32
    %c0_i32 = arith.constant 0 : i32
    %c0_i32_1 = arith.constant 0 : i32
    return %add3A_0, %arg1, %c0_i32 : i32, i32, i32
  }
}

module attributes {stable_mosaic.version = 14 : i64} {
  func.func @_tc_body(%arg0: i32, %arg1: i32, %arg2: memref<1x256x512xf32, #tpu.memory_space<vmem>>, %arg3: memref<1x256x512xf32, #tpu.memory_space<vmem>>, %arg4: memref<1x256x512xf32, #tpu.memory_space<vmem>>, %arg5: memref<1x256x512xf32, #tpu.memory_space<vmem>>, %arg6: memref<4x512x256xf32, #tpu.memory_space<vmem>>, %arg7: memref<4x1x256xf32, #tpu.memory_space<vmem>>, %arg8: memref<1x256x128xi32, #tpu.memory_space<vmem>>, %arg9: memref<1x256xf32, #tpu.memory_space<vmem>>, %arg10: memref<1x256xf32, #tpu.memory_space<vmem>>, %arg11: memref<1x256x256xf32, #tpu.memory_space<vmem>>) attributes {dimension_semantics = [#tpu.dimension_semantics<arbitrary>, #tpu.dimension_semantics<arbitrary>], iteration_bounds = array<i64: 4, 8>, scalar_prefetch = 0 : i64, scratch_operands = 0 : i64, tpu.core_type = #tpu.core_type<tc>, window_params = [{transform_indices = @transform_0, window_bounds = array<i64: 1, 256, 512>}, {transform_indices = @transform_1, window_bounds = array<i64: 1, 256, 512>}, {transform_indices = @transform_2, window_bounds = array<i64: 1, 256, 512>}, {transform_indices = @transform_3, window_bounds = array<i64: 1, 256, 512>}, {pipeline_mode = #tpu.pipeline_mode<synchronous>, transform_indices = @transform_4, window_bounds = array<i64: 4, 512, 256>}, {pipeline_mode = #tpu.pipeline_mode<synchronous>, transform_indices = @transform_5, window_bounds = array<i64: 4, 1, 256>}, {transform_indices = @transform_6, window_bounds = array<i64: 1, 256, 128>}, {pipeline_mode = #tpu.pipeline_mode<synchronous>, transform_indices = @transform_7, window_bounds = array<i64: 1, 256>}, {pipeline_mode = #tpu.pipeline_mode<synchronous>, transform_indices = @transform_8, window_bounds = array<i64: 1, 256>}, {transform_indices = @transform_9, window_bounds = array<i64: 1, 256, 256>}]} {
    %ge3A = arith.constant 4 : i32
    %ge3A_0 = arith.cmpi sge, %arg1, %ge3A : i32
    %convert_element_type3A = arith.extui %ge3A_0 : i1 to i32
    %ge3A_1 = arith.constant 6 : i32
    %ge3A_2 = arith.cmpi sge, %arg1, %ge3A_1 : i32
    %convert_element_type3A_3 = arith.extui %ge3A_2 : i1 to i32
    %add3A = arith.addi %convert_element_type3A, %convert_element_type3A_3 : i32
    %ge3A_4 = arith.constant 7 : i32
    %ge3A_5 = arith.cmpi sge, %arg1, %ge3A_4 : i32
    %convert_element_type3A_6 = arith.extui %ge3A_5 : i1 to i32
    %add3A_7 = arith.addi %add3A, %convert_element_type3A_6 : i32
    %eq3A = arith.constant 0 : i32
    %eq3A_8 = arith.cmpi eq, %add3A_7, %eq3A : i32
    %convert_element_type3A_9 = arith.extui %eq3A_8 : i1 to i32
    %cond3A = arith.constant 0 : i32
    %cond3A_10 = arith.cmpi ne, %convert_element_type3A_9, %cond3A : i32
    scf.if %cond3A_10 {
      %get3A = arith.constant 0 : index
      %get3A_26 = arith.constant 0 : index
      %get3A_27 = arith.constant 0 : index
      %get3A_28 = vector.load %arg2[%get3A, %get3A_26, %get3A_27] : memref<1x256x512xf32, #tpu.memory_space<vmem>>, vector<1x256x512xf32>
      %get3A_29 = vector.shape_cast %get3A_28 : vector<1x256x512xf32> to vector<256x512xf32>
      %get3A_30 = arith.constant 0 : index
      %get3A_31 = arith.constant 0 : index
      %get3A_32 = arith.constant 0 : index
      %get3A_33 = vector.load %arg8[%get3A_30, %get3A_31, %get3A_32] : memref<1x256x128xi32, #tpu.memory_space<vmem>>, vector<1x256x128xi32>
      %get3A_34 = vector.shape_cast %get3A_33 : vector<1x256x128xi32> to vector<256x128xi32>
      %shift_left3A = arith.constant 16 : i32
      %shift_left3A_35 = vector.broadcast %shift_left3A : i32 to vector<256x128xi32>
      %shift_left3A_36 = arith.shli %get3A_34, %shift_left3A_35 : vector<256x128xi32>
      %bitcast_convert_type3A = tpu.bitcast %shift_left3A_36 : vector<256x128xi32> -> vector<256x128xf32>
      %and3A = arith.constant -65536 : i32
      %and3A_37 = vector.broadcast %and3A : i32 to vector<256x128xi32>
      %and3A_38 = arith.andi %get3A_34, %and3A_37 : vector<256x128xi32>
      %bitcast_convert_type3A_39 = tpu.bitcast %and3A_38 : vector<256x128xi32> -> vector<256x128xf32>
      %concatenate3A = tpu.concatenate %bitcast_convert_type3A, %bitcast_convert_type3A_39 in 1 : vector<256x128xf32>, vector<256x128xf32> -> vector<256x256xf32>
      %get3A_40 = arith.constant 0 : index
      %get3A_41 = arith.constant 0 : index
      %get3A_42 = arith.constant 0 : index
      %get3A_43 = vector.load %arg6[%get3A_40, %get3A_41, %get3A_42] : memref<4x512x256xf32, #tpu.memory_space<vmem>>, vector<1x512x256xf32>
      %get3A_44 = vector.shape_cast %get3A_43 : vector<1x512x256xf32> to vector<512x256xf32>
      %dot_general3A = arith.constant dense<0.000000e+00> : vector<256x256xf32>
      %dot_general3A_45 = tpu.matmul %get3A_29, %get3A_44, %dot_general3A {dimension_numbers = #tpu.dot_dimension_numbers<[1], [0], [0], [1], [0, 0, 1, 1], [], []>, transpose_lhs_hint = false} : vector<256x512xf32>, vector<512x256xf32>, vector<256x256xf32> -> vector<256x256xf32>
      %get3A_46 = arith.constant 0 : index
      %get3A_47 = arith.constant 0 : index
      %get3A_48 = arith.constant 0 : index
      %get3A_49 = vector.load %arg7[%get3A_46, %get3A_47, %get3A_48] : memref<4x1x256xf32, #tpu.memory_space<vmem>>, vector<1x1x256xf32>
      %get3A_50 = vector.shape_cast %get3A_49 : vector<1x1x256xf32> to vector<1x256xf32>
      %add3A_51 = vector.broadcast %get3A_50 : vector<1x256xf32> to vector<256x256xf32>
      %add3A_52 = arith.addf %dot_general3A_45, %add3A_51 : vector<256x256xf32>
      %add3A_53 = arith.addf %add3A_52, %concatenate3A : vector<256x256xf32>
      %reduce_sum3A = arith.constant dense<0.000000e+00> : vector<256xf32>
      %reduce_sum3A_54 = vector.multi_reduction <add>, %add3A_53, %reduce_sum3A [1] : vector<256x256xf32> to vector<256xf32>
      %broadcast_in_dim3A = vector.shape_cast %reduce_sum3A_54 : vector<256xf32> to vector<256x1xf32>
      %div3A = arith.constant 2.560000e+02 : f32
      %div3A_55 = vector.broadcast %div3A : f32 to vector<256x1xf32>
      %div3A_56 = arith.divf %broadcast_in_dim3A, %div3A_55 : vector<256x1xf32>
      %sub3A = vector.broadcast %div3A_56 : vector<256x1xf32> to vector<256x256xf32>
      %sub3A_57 = arith.subf %add3A_53, %sub3A : vector<256x256xf32>
      %integer_pow3A = arith.mulf %sub3A_57, %sub3A_57 : vector<256x256xf32>
      %reduce_sum3A_58 = arith.constant dense<0.000000e+00> : vector<256xf32>
      %reduce_sum3A_59 = vector.multi_reduction <add>, %integer_pow3A, %reduce_sum3A_58 [1] : vector<256x256xf32> to vector<256xf32>
      %broadcast_in_dim3A_60 = vector.shape_cast %reduce_sum3A_59 : vector<256xf32> to vector<256x1xf32>
      %div3A_61 = arith.constant 2.560000e+02 : f32
      %div3A_62 = vector.broadcast %div3A_61 : f32 to vector<256x1xf32>
      %div3A_63 = arith.divf %broadcast_in_dim3A_60, %div3A_62 : vector<256x1xf32>
      %sub3A_64 = vector.broadcast %div3A_56 : vector<256x1xf32> to vector<256x256xf32>
      %sub3A_65 = arith.subf %add3A_53, %sub3A_64 : vector<256x256xf32>
      %add3A_66 = arith.constant 9.99999996E-13 : f32
      %add3A_67 = vector.broadcast %add3A_66 : f32 to vector<256x1xf32>
      %add3A_68 = arith.addf %div3A_63, %add3A_67 : vector<256x1xf32>
      %rsqrt3A = math.rsqrt %add3A_68 : vector<256x1xf32>
      %mul3A = vector.broadcast %rsqrt3A : vector<256x1xf32> to vector<256x256xf32>
      %mul3A_69 = arith.mulf %sub3A_65, %mul3A : vector<256x256xf32>
      %get3A_70 = arith.constant 0 : index
      %get3A_71 = arith.constant 0 : index
      %get3A_72 = vector.load %arg9[%get3A_70, %get3A_71] : memref<1x256xf32, #tpu.memory_space<vmem>>, vector<1x256xf32>
      %mul3A_73 = vector.broadcast %get3A_72 : vector<1x256xf32> to vector<256x256xf32>
      %mul3A_74 = arith.mulf %mul3A_69, %mul3A_73 : vector<256x256xf32>
      %get3A_75 = arith.constant 0 : index
      %get3A_76 = arith.constant 0 : index
      %get3A_77 = vector.load %arg10[%get3A_75, %get3A_76] : memref<1x256xf32, #tpu.memory_space<vmem>>, vector<1x256xf32>
      %add3A_78 = vector.broadcast %get3A_77 : vector<1x256xf32> to vector<256x256xf32>
      %add3A_79 = arith.addf %mul3A_74, %add3A_78 : vector<256x256xf32>
      %swap3A = arith.constant 0 : index
      %swap3A_80 = arith.constant 0 : index
      %swap3A_81 = arith.constant 0 : index
      %swap3A_82 = vector.load %arg11[%swap3A, %swap3A_80, %swap3A_81] : memref<1x256x256xf32, #tpu.memory_space<vmem>>, vector<1x256x256xf32>
      %swap3A_83 = vector.shape_cast %swap3A_82 : vector<1x256x256xf32> to vector<256x256xf32>
      %swap3A_84 = vector.shape_cast %add3A_79 : vector<256x256xf32> to vector<1x256x256xf32>
      tpu.vector_store %arg11[%swap3A, %swap3A_80, %swap3A_81], %swap3A_84 {strides = array<i32>} : memref<1x256x256xf32, #tpu.memory_space<vmem>>, vector<1x256x256xf32>,
    } else {
    }
    %eq3A_11 = arith.constant 1 : i32
    %eq3A_12 = arith.cmpi eq, %add3A_7, %eq3A_11 : i32
    %convert_element_type3A_13 = arith.extui %eq3A_12 : i1 to i32
    %cond3A_14 = arith.constant 0 : i32
    %cond3A_15 = arith.cmpi ne, %convert_element_type3A_13, %cond3A_14 : i32
    scf.if %cond3A_15 {
      %get3A = arith.constant 0 : index
      %get3A_26 = arith.constant 0 : index
      %get3A_27 = arith.constant 0 : index
      %get3A_28 = vector.load %arg3[%get3A, %get3A_26, %get3A_27] : memref<1x256x512xf32, #tpu.memory_space<vmem>>, vector<1x256x512xf32>
      %get3A_29 = vector.shape_cast %get3A_28 : vector<1x256x512xf32> to vector<256x512xf32>
      %get3A_30 = arith.constant 0 : index
      %get3A_31 = arith.constant 0 : index
      %get3A_32 = arith.constant 0 : index
      %get3A_33 = vector.load %arg8[%get3A_30, %get3A_31, %get3A_32] : memref<1x256x128xi32, #tpu.memory_space<vmem>>, vector<1x256x128xi32>
      %get3A_34 = vector.shape_cast %get3A_33 : vector<1x256x128xi32> to vector<256x128xi32>
      %shift_left3A = arith.constant 16 : i32
      %shift_left3A_35 = vector.broadcast %shift_left3A : i32 to vector<256x128xi32>
      %shift_left3A_36 = arith.shli %get3A_34, %shift_left3A_35 : vector<256x128xi32>
      %bitcast_convert_type3A = tpu.bitcast %shift_left3A_36 : vector<256x128xi32> -> vector<256x128xf32>
      %and3A = arith.constant -65536 : i32
      %and3A_37 = vector.broadcast %and3A : i32 to vector<256x128xi32>
      %and3A_38 = arith.andi %get3A_34, %and3A_37 : vector<256x128xi32>
      %bitcast_convert_type3A_39 = tpu.bitcast %and3A_38 : vector<256x128xi32> -> vector<256x128xf32>
      %concatenate3A = tpu.concatenate %bitcast_convert_type3A, %bitcast_convert_type3A_39 in 1 : vector<256x128xf32>, vector<256x128xf32> -> vector<256x256xf32>
      %get3A_40 = arith.constant 1 : index
      %get3A_41 = arith.constant 0 : index
      %get3A_42 = arith.constant 0 : index
      %get3A_43 = vector.load %arg6[%get3A_40, %get3A_41, %get3A_42] : memref<4x512x256xf32, #tpu.memory_space<vmem>>, vector<1x512x256xf32>
      %get3A_44 = vector.shape_cast %get3A_43 : vector<1x512x256xf32> to vector<512x256xf32>
      %dot_general3A = arith.constant dense<0.000000e+00> : vector<256x256xf32>
      %dot_general3A_45 = tpu.matmul %get3A_29, %get3A_44, %dot_general3A {dimension_numbers = #tpu.dot_dimension_numbers<[1], [0], [0], [1], [0, 0, 1, 1], [], []>, transpose_lhs_hint = false} : vector<256x512xf32>, vector<512x256xf32>, vector<256x256xf32> -> vector<256x256xf32>
      %get3A_46 = arith.constant 1 : index
      %get3A_47 = arith.constant 0 : index
      %get3A_48 = arith.constant 0 : index
      %get3A_49 = vector.load %arg7[%get3A_46, %get3A_47, %get3A_48] : memref<4x1x256xf32, #tpu.memory_space<vmem>>, vector<1x1x256xf32>
      %get3A_50 = vector.shape_cast %get3A_49 : vector<1x1x256xf32> to vector<1x256xf32>
      %add3A_51 = vector.broadcast %get3A_50 : vector<1x256xf32> to vector<256x256xf32>
      %add3A_52 = arith.addf %dot_general3A_45, %add3A_51 : vector<256x256xf32>
      %add3A_53 = arith.addf %add3A_52, %concatenate3A : vector<256x256xf32>
      %reduce_sum3A = arith.constant dense<0.000000e+00> : vector<256xf32>
      %reduce_sum3A_54 = vector.multi_reduction <add>, %add3A_53, %reduce_sum3A [1] : vector<256x256xf32> to vector<256xf32>
      %broadcast_in_dim3A = vector.shape_cast %reduce_sum3A_54 : vector<256xf32> to vector<256x1xf32>
      %div3A = arith.constant 2.560000e+02 : f32
      %div3A_55 = vector.broadcast %div3A : f32 to vector<256x1xf32>
      %div3A_56 = arith.divf %broadcast_in_dim3A, %div3A_55 : vector<256x1xf32>
      %sub3A = vector.broadcast %div3A_56 : vector<256x1xf32> to vector<256x256xf32>
      %sub3A_57 = arith.subf %add3A_53, %sub3A : vector<256x256xf32>
      %integer_pow3A = arith.mulf %sub3A_57, %sub3A_57 : vector<256x256xf32>
      %reduce_sum3A_58 = arith.constant dense<0.000000e+00> : vector<256xf32>
      %reduce_sum3A_59 = vector.multi_reduction <add>, %integer_pow3A, %reduce_sum3A_58 [1] : vector<256x256xf32> to vector<256xf32>
      %broadcast_in_dim3A_60 = vector.shape_cast %reduce_sum3A_59 : vector<256xf32> to vector<256x1xf32>
      %div3A_61 = arith.constant 2.560000e+02 : f32
      %div3A_62 = vector.broadcast %div3A_61 : f32 to vector<256x1xf32>
      %div3A_63 = arith.divf %broadcast_in_dim3A_60, %div3A_62 : vector<256x1xf32>
      %sub3A_64 = vector.broadcast %div3A_56 : vector<256x1xf32> to vector<256x256xf32>
      %sub3A_65 = arith.subf %add3A_53, %sub3A_64 : vector<256x256xf32>
      %add3A_66 = arith.constant 9.99999996E-13 : f32
      %add3A_67 = vector.broadcast %add3A_66 : f32 to vector<256x1xf32>
      %add3A_68 = arith.addf %div3A_63, %add3A_67 : vector<256x1xf32>
      %rsqrt3A = math.rsqrt %add3A_68 : vector<256x1xf32>
      %mul3A = vector.broadcast %rsqrt3A : vector<256x1xf32> to vector<256x256xf32>
      %mul3A_69 = arith.mulf %sub3A_65, %mul3A : vector<256x256xf32>
      %get3A_70 = arith.constant 0 : index
      %get3A_71 = arith.constant 0 : index
      %get3A_72 = vector.load %arg9[%get3A_70, %get3A_71] : memref<1x256xf32, #tpu.memory_space<vmem>>, vector<1x256xf32>
      %mul3A_73 = vector.broadcast %get3A_72 : vector<1x256xf32> to vector<256x256xf32>
      %mul3A_74 = arith.mulf %mul3A_69, %mul3A_73 : vector<256x256xf32>
      %get3A_75 = arith.constant 0 : index
      %get3A_76 = arith.constant 0 : index
      %get3A_77 = vector.load %arg10[%get3A_75, %get3A_76] : memref<1x256xf32, #tpu.memory_space<vmem>>, vector<1x256xf32>
      %add3A_78 = vector.broadcast %get3A_77 : vector<1x256xf32> to vector<256x256xf32>
      %add3A_79 = arith.addf %mul3A_74, %add3A_78 : vector<256x256xf32>
      %swap3A = arith.constant 0 : index
      %swap3A_80 = arith.constant 0 : index
      %swap3A_81 = arith.constant 0 : index
      %swap3A_82 = vector.load %arg11[%swap3A, %swap3A_80, %swap3A_81] : memref<1x256x256xf32, #tpu.memory_space<vmem>>, vector<1x256x256xf32>
      %swap3A_83 = vector.shape_cast %swap3A_82 : vector<1x256x256xf32> to vector<256x256xf32>
      %swap3A_84 = vector.shape_cast %add3A_79 : vector<256x256xf32> to vector<1x256x256xf32>
      tpu.vector_store %arg11[%swap3A, %swap3A_80, %swap3A_81], %swap3A_84 {strides = array<i32>} : memref<1x256x256xf32, #tpu.memory_space<vmem>>, vector<1x256x256xf32>,
    } else {
    }
    %eq3A_16 = arith.constant 2 : i32
    %eq3A_17 = arith.cmpi eq, %add3A_7, %eq3A_16 : i32
    %convert_element_type3A_18 = arith.extui %eq3A_17 : i1 to i32
    %cond3A_19 = arith.constant 0 : i32
    %cond3A_20 = arith.cmpi ne, %convert_element_type3A_18, %cond3A_19 : i32
    scf.if %cond3A_20 {
      %get3A = arith.constant 0 : index
      %get3A_26 = arith.constant 0 : index
      %get3A_27 = arith.constant 0 : index
      %get3A_28 = vector.load %arg4[%get3A, %get3A_26, %get3A_27] : memref<1x256x512xf32, #tpu.memory_space<vmem>>, vector<1x256x512xf32>
      %get3A_29 = vector.shape_cast %get3A_28 : vector<1x256x512xf32> to vector<256x512xf32>
      %get3A_30 = arith.constant 0 : index
      %get3A_31 = arith.constant 0 : index
      %get3A_32 = arith.constant 0 : index
      %get3A_33 = vector.load %arg8[%get3A_30, %get3A_31, %get3A_32] : memref<1x256x128xi32, #tpu.memory_space<vmem>>, vector<1x256x128xi32>
      %get3A_34 = vector.shape_cast %get3A_33 : vector<1x256x128xi32> to vector<256x128xi32>
      %shift_left3A = arith.constant 16 : i32
      %shift_left3A_35 = vector.broadcast %shift_left3A : i32 to vector<256x128xi32>
      %shift_left3A_36 = arith.shli %get3A_34, %shift_left3A_35 : vector<256x128xi32>
      %bitcast_convert_type3A = tpu.bitcast %shift_left3A_36 : vector<256x128xi32> -> vector<256x128xf32>
      %and3A = arith.constant -65536 : i32
      %and3A_37 = vector.broadcast %and3A : i32 to vector<256x128xi32>
      %and3A_38 = arith.andi %get3A_34, %and3A_37 : vector<256x128xi32>
      %bitcast_convert_type3A_39 = tpu.bitcast %and3A_38 : vector<256x128xi32> -> vector<256x128xf32>
      %concatenate3A = tpu.concatenate %bitcast_convert_type3A, %bitcast_convert_type3A_39 in 1 : vector<256x128xf32>, vector<256x128xf32> -> vector<256x256xf32>
      %get3A_40 = arith.constant 2 : index
      %get3A_41 = arith.constant 0 : index
      %get3A_42 = arith.constant 0 : index
      %get3A_43 = vector.load %arg6[%get3A_40, %get3A_41, %get3A_42] : memref<4x512x256xf32, #tpu.memory_space<vmem>>, vector<1x512x256xf32>
      %get3A_44 = vector.shape_cast %get3A_43 : vector<1x512x256xf32> to vector<512x256xf32>
      %dot_general3A = arith.constant dense<0.000000e+00> : vector<256x256xf32>
      %dot_general3A_45 = tpu.matmul %get3A_29, %get3A_44, %dot_general3A {dimension_numbers = #tpu.dot_dimension_numbers<[1], [0], [0], [1], [0, 0, 1, 1], [], []>, transpose_lhs_hint = false} : vector<256x512xf32>, vector<512x256xf32>, vector<256x256xf32> -> vector<256x256xf32>
      %get3A_46 = arith.constant 2 : index
      %get3A_47 = arith.constant 0 : index
      %get3A_48 = arith.constant 0 : index
      %get3A_49 = vector.load %arg7[%get3A_46, %get3A_47, %get3A_48] : memref<4x1x256xf32, #tpu.memory_space<vmem>>, vector<1x1x256xf32>
      %get3A_50 = vector.shape_cast %get3A_49 : vector<1x1x256xf32> to vector<1x256xf32>
      %add3A_51 = vector.broadcast %get3A_50 : vector<1x256xf32> to vector<256x256xf32>
      %add3A_52 = arith.addf %dot_general3A_45, %add3A_51 : vector<256x256xf32>
      %add3A_53 = arith.addf %add3A_52, %concatenate3A : vector<256x256xf32>
      %reduce_sum3A = arith.constant dense<0.000000e+00> : vector<256xf32>
      %reduce_sum3A_54 = vector.multi_reduction <add>, %add3A_53, %reduce_sum3A [1] : vector<256x256xf32> to vector<256xf32>
      %broadcast_in_dim3A = vector.shape_cast %reduce_sum3A_54 : vector<256xf32> to vector<256x1xf32>
      %div3A = arith.constant 2.560000e+02 : f32
      %div3A_55 = vector.broadcast %div3A : f32 to vector<256x1xf32>
      %div3A_56 = arith.divf %broadcast_in_dim3A, %div3A_55 : vector<256x1xf32>
      %sub3A = vector.broadcast %div3A_56 : vector<256x1xf32> to vector<256x256xf32>
      %sub3A_57 = arith.subf %add3A_53, %sub3A : vector<256x256xf32>
      %integer_pow3A = arith.mulf %sub3A_57, %sub3A_57 : vector<256x256xf32>
      %reduce_sum3A_58 = arith.constant dense<0.000000e+00> : vector<256xf32>
      %reduce_sum3A_59 = vector.multi_reduction <add>, %integer_pow3A, %reduce_sum3A_58 [1] : vector<256x256xf32> to vector<256xf32>
      %broadcast_in_dim3A_60 = vector.shape_cast %reduce_sum3A_59 : vector<256xf32> to vector<256x1xf32>
      %div3A_61 = arith.constant 2.560000e+02 : f32
      %div3A_62 = vector.broadcast %div3A_61 : f32 to vector<256x1xf32>
      %div3A_63 = arith.divf %broadcast_in_dim3A_60, %div3A_62 : vector<256x1xf32>
      %sub3A_64 = vector.broadcast %div3A_56 : vector<256x1xf32> to vector<256x256xf32>
      %sub3A_65 = arith.subf %add3A_53, %sub3A_64 : vector<256x256xf32>
      %add3A_66 = arith.constant 9.99999996E-13 : f32
      %add3A_67 = vector.broadcast %add3A_66 : f32 to vector<256x1xf32>
      %add3A_68 = arith.addf %div3A_63, %add3A_67 : vector<256x1xf32>
      %rsqrt3A = math.rsqrt %add3A_68 : vector<256x1xf32>
      %mul3A = vector.broadcast %rsqrt3A : vector<256x1xf32> to vector<256x256xf32>
      %mul3A_69 = arith.mulf %sub3A_65, %mul3A : vector<256x256xf32>
      %get3A_70 = arith.constant 0 : index
      %get3A_71 = arith.constant 0 : index
      %get3A_72 = vector.load %arg9[%get3A_70, %get3A_71] : memref<1x256xf32, #tpu.memory_space<vmem>>, vector<1x256xf32>
      %mul3A_73 = vector.broadcast %get3A_72 : vector<1x256xf32> to vector<256x256xf32>
      %mul3A_74 = arith.mulf %mul3A_69, %mul3A_73 : vector<256x256xf32>
      %get3A_75 = arith.constant 0 : index
      %get3A_76 = arith.constant 0 : index
      %get3A_77 = vector.load %arg10[%get3A_75, %get3A_76] : memref<1x256xf32, #tpu.memory_space<vmem>>, vector<1x256xf32>
      %add3A_78 = vector.broadcast %get3A_77 : vector<1x256xf32> to vector<256x256xf32>
      %add3A_79 = arith.addf %mul3A_74, %add3A_78 : vector<256x256xf32>
      %swap3A = arith.constant 0 : index
      %swap3A_80 = arith.constant 0 : index
      %swap3A_81 = arith.constant 0 : index
      %swap3A_82 = vector.load %arg11[%swap3A, %swap3A_80, %swap3A_81] : memref<1x256x256xf32, #tpu.memory_space<vmem>>, vector<1x256x256xf32>
      %swap3A_83 = vector.shape_cast %swap3A_82 : vector<1x256x256xf32> to vector<256x256xf32>
      %swap3A_84 = vector.shape_cast %add3A_79 : vector<256x256xf32> to vector<1x256x256xf32>
      tpu.vector_store %arg11[%swap3A, %swap3A_80, %swap3A_81], %swap3A_84 {strides = array<i32>} : memref<1x256x256xf32, #tpu.memory_space<vmem>>, vector<1x256x256xf32>,
    } else {
    }
    %eq3A_21 = arith.constant 3 : i32
    %eq3A_22 = arith.cmpi eq, %add3A_7, %eq3A_21 : i32
    %convert_element_type3A_23 = arith.extui %eq3A_22 : i1 to i32
    %cond3A_24 = arith.constant 0 : i32
    %cond3A_25 = arith.cmpi ne, %convert_element_type3A_23, %cond3A_24 : i32
    scf.if %cond3A_25 {
      %get3A = arith.constant 0 : index
      %get3A_26 = arith.constant 0 : index
      %get3A_27 = arith.constant 0 : index
      %get3A_28 = vector.load %arg5[%get3A, %get3A_26, %get3A_27] : memref<1x256x512xf32, #tpu.memory_space<vmem>>, vector<1x256x512xf32>
      %get3A_29 = vector.shape_cast %get3A_28 : vector<1x256x512xf32> to vector<256x512xf32>
      %get3A_30 = arith.constant 0 : index
      %get3A_31 = arith.constant 0 : index
      %get3A_32 = arith.constant 0 : index
      %get3A_33 = vector.load %arg8[%get3A_30, %get3A_31, %get3A_32] : memref<1x256x128xi32, #tpu.memory_space<vmem>>, vector<1x256x128xi32>
      %get3A_34 = vector.shape_cast %get3A_33 : vector<1x256x128xi32> to vector<256x128xi32>
      %shift_left3A = arith.constant 16 : i32
      %shift_left3A_35 = vector.broadcast %shift_left3A : i32 to vector<256x128xi32>
      %shift_left3A_36 = arith.shli %get3A_34, %shift_left3A_35 : vector<256x128xi32>
      %bitcast_convert_type3A = tpu.bitcast %shift_left3A_36 : vector<256x128xi32> -> vector<256x128xf32>
      %and3A = arith.constant -65536 : i32
      %and3A_37 = vector.broadcast %and3A : i32 to vector<256x128xi32>
      %and3A_38 = arith.andi %get3A_34, %and3A_37 : vector<256x128xi32>
      %bitcast_convert_type3A_39 = tpu.bitcast %and3A_38 : vector<256x128xi32> -> vector<256x128xf32>
      %concatenate3A = tpu.concatenate %bitcast_convert_type3A, %bitcast_convert_type3A_39 in 1 : vector<256x128xf32>, vector<256x128xf32> -> vector<256x256xf32>
      %get3A_40 = arith.constant 3 : index
      %get3A_41 = arith.constant 0 : index
      %get3A_42 = arith.constant 0 : index
      %get3A_43 = vector.load %arg6[%get3A_40, %get3A_41, %get3A_42] : memref<4x512x256xf32, #tpu.memory_space<vmem>>, vector<1x512x256xf32>
      %get3A_44 = vector.shape_cast %get3A_43 : vector<1x512x256xf32> to vector<512x256xf32>
      %dot_general3A = arith.constant dense<0.000000e+00> : vector<256x256xf32>
      %dot_general3A_45 = tpu.matmul %get3A_29, %get3A_44, %dot_general3A {dimension_numbers = #tpu.dot_dimension_numbers<[1], [0], [0], [1], [0, 0, 1, 1], [], []>, transpose_lhs_hint = false} : vector<256x512xf32>, vector<512x256xf32>, vector<256x256xf32> -> vector<256x256xf32>
      %get3A_46 = arith.constant 3 : index
      %get3A_47 = arith.constant 0 : index
      %get3A_48 = arith.constant 0 : index
      %get3A_49 = vector.load %arg7[%get3A_46, %get3A_47, %get3A_48] : memref<4x1x256xf32, #tpu.memory_space<vmem>>, vector<1x1x256xf32>
      %get3A_50 = vector.shape_cast %get3A_49 : vector<1x1x256xf32> to vector<1x256xf32>
      %add3A_51 = vector.broadcast %get3A_50 : vector<1x256xf32> to vector<256x256xf32>
      %add3A_52 = arith.addf %dot_general3A_45, %add3A_51 : vector<256x256xf32>
      %add3A_53 = arith.addf %add3A_52, %concatenate3A : vector<256x256xf32>
      %reduce_sum3A = arith.constant dense<0.000000e+00> : vector<256xf32>
      %reduce_sum3A_54 = vector.multi_reduction <add>, %add3A_53, %reduce_sum3A [1] : vector<256x256xf32> to vector<256xf32>
      %broadcast_in_dim3A = vector.shape_cast %reduce_sum3A_54 : vector<256xf32> to vector<256x1xf32>
      %div3A = arith.constant 2.560000e+02 : f32
      %div3A_55 = vector.broadcast %div3A : f32 to vector<256x1xf32>
      %div3A_56 = arith.divf %broadcast_in_dim3A, %div3A_55 : vector<256x1xf32>
      %sub3A = vector.broadcast %div3A_56 : vector<256x1xf32> to vector<256x256xf32>
      %sub3A_57 = arith.subf %add3A_53, %sub3A : vector<256x256xf32>
      %integer_pow3A = arith.mulf %sub3A_57, %sub3A_57 : vector<256x256xf32>
      %reduce_sum3A_58 = arith.constant dense<0.000000e+00> : vector<256xf32>
      %reduce_sum3A_59 = vector.multi_reduction <add>, %integer_pow3A, %reduce_sum3A_58 [1] : vector<256x256xf32> to vector<256xf32>
      %broadcast_in_dim3A_60 = vector.shape_cast %reduce_sum3A_59 : vector<256xf32> to vector<256x1xf32>
      %div3A_61 = arith.constant 2.560000e+02 : f32
      %div3A_62 = vector.broadcast %div3A_61 : f32 to vector<256x1xf32>
      %div3A_63 = arith.divf %broadcast_in_dim3A_60, %div3A_62 : vector<256x1xf32>
      %sub3A_64 = vector.broadcast %div3A_56 : vector<256x1xf32> to vector<256x256xf32>
      %sub3A_65 = arith.subf %add3A_53, %sub3A_64 : vector<256x256xf32>
      %add3A_66 = arith.constant 9.99999996E-13 : f32
      %add3A_67 = vector.broadcast %add3A_66 : f32 to vector<256x1xf32>
      %add3A_68 = arith.addf %div3A_63, %add3A_67 : vector<256x1xf32>
      %rsqrt3A = math.rsqrt %add3A_68 : vector<256x1xf32>
      %mul3A = vector.broadcast %rsqrt3A : vector<256x1xf32> to vector<256x256xf32>
      %mul3A_69 = arith.mulf %sub3A_65, %mul3A : vector<256x256xf32>
      %get3A_70 = arith.constant 0 : index
      %get3A_71 = arith.constant 0 : index
      %get3A_72 = vector.load %arg9[%get3A_70, %get3A_71] : memref<1x256xf32, #tpu.memory_space<vmem>>, vector<1x256xf32>
      %mul3A_73 = vector.broadcast %get3A_72 : vector<1x256xf32> to vector<256x256xf32>
      %mul3A_74 = arith.mulf %mul3A_69, %mul3A_73 : vector<256x256xf32>
      %get3A_75 = arith.constant 0 : index
      %get3A_76 = arith.constant 0 : index
      %get3A_77 = vector.load %arg10[%get3A_75, %get3A_76] : memref<1x256xf32, #tpu.memory_space<vmem>>, vector<1x256xf32>
      %add3A_78 = vector.broadcast %get3A_77 : vector<1x256xf32> to vector<256x256xf32>
      %add3A_79 = arith.addf %mul3A_74, %add3A_78 : vector<256x256xf32>
      %swap3A = arith.constant 0 : index
      %swap3A_80 = arith.constant 0 : index
      %swap3A_81 = arith.constant 0 : index
      %swap3A_82 = vector.load %arg11[%swap3A, %swap3A_80, %swap3A_81] : memref<1x256x256xf32, #tpu.memory_space<vmem>>, vector<1x256x256xf32>
      %swap3A_83 = vector.shape_cast %swap3A_82 : vector<1x256x256xf32> to vector<256x256xf32>
      %swap3A_84 = vector.shape_cast %add3A_79 : vector<256x256xf32> to vector<1x256x256xf32>
      tpu.vector_store %arg11[%swap3A, %swap3A_80, %swap3A_81], %swap3A_84 {strides = array<i32>} : memref<1x256x256xf32, #tpu.memory_space<vmem>>, vector<1x256x256xf32>,
    } else {
    }
    return
  }
  func.func @transform_0(%arg0: i32, %arg1: i32) -> (i32, i32, i32) {
    %add3A = arith.constant 0 : i32
    %add3A_0 = arith.addi %arg0, %add3A : i32
    %min3A = arith.constant 3 : i32
    %min3A_1 = arith.minsi %arg1, %min3A : i32
    %c0_i32 = arith.constant 0 : i32
    %c0_i32_2 = arith.constant 0 : i32
    return %add3A_0, %min3A_1, %c0_i32 : i32, i32, i32
  }
  func.func @transform_1(%arg0: i32, %arg1: i32) -> (i32, i32, i32) {
    %add3A = arith.constant 0 : i32
    %add3A_0 = arith.addi %arg0, %add3A : i32
    %sub3A = arith.constant 4 : i32
    %sub3A_1 = arith.subi %arg1, %sub3A : i32
    %jit3A = arith.constant 0 : i32
    %jit3A_2 = arith.constant 1 : i32
    %max3A = arith.maxsi %jit3A, %sub3A_1 : i32
    %min3A = arith.minsi %jit3A_2, %max3A : i32
    %c0_i32 = arith.constant 0 : i32
    %c0_i32_3 = arith.constant 0 : i32
    return %add3A_0, %min3A, %c0_i32 : i32, i32, i32
  }
  func.func @transform_2(%arg0: i32, %arg1: i32) -> (i32, i32, i32) {
    %add3A = arith.constant 0 : i32
    %add3A_0 = arith.addi %arg0, %add3A : i32
    %c0_i32 = arith.constant 0 : i32
    %c0_i32_1 = arith.constant 0 : i32
    %c0_i32_2 = arith.constant 0 : i32
    return %add3A_0, %c0_i32, %c0_i32_1 : i32, i32, i32
  }
  func.func @transform_3(%arg0: i32, %arg1: i32) -> (i32, i32, i32) {
    %add3A = arith.constant 0 : i32
    %add3A_0 = arith.addi %arg0, %add3A : i32
    %c0_i32 = arith.constant 0 : i32
    %c0_i32_1 = arith.constant 0 : i32
    %c0_i32_2 = arith.constant 0 : i32
    return %add3A_0, %c0_i32, %c0_i32_1 : i32, i32, i32
  }
  func.func @transform_4(%arg0: i32, %arg1: i32) -> (i32, i32, i32) {
    %c0_i32 = arith.constant 0 : i32
    %c0_i32_0 = arith.constant 0 : i32
    %c0_i32_1 = arith.constant 0 : i32
    %c0_i32_2 = arith.constant 0 : i32
    return %c0_i32, %c0_i32_0, %c0_i32_1 : i32, i32, i32
  }
  func.func @transform_5(%arg0: i32, %arg1: i32) -> (i32, i32, i32) {
    %c0_i32 = arith.constant 0 : i32
    %c0_i32_0 = arith.constant 0 : i32
    %c0_i32_1 = arith.constant 0 : i32
    %c0_i32_2 = arith.constant 0 : i32
    return %c0_i32, %c0_i32_0, %c0_i32_1 : i32, i32, i32
  }
  func.func @transform_6(%arg0: i32, %arg1: i32) -> (i32, i32, i32) {
    %c0_i32 = arith.constant 0 : i32
    %c0_i32_0 = arith.constant 0 : i32
    return %arg0, %arg1, %c0_i32 : i32, i32, i32
  }
  func.func @transform_7(%arg0: i32, %arg1: i32) -> (i32, i32) {
    %c0_i32 = arith.constant 0 : i32
    %c0_i32_0 = arith.constant 0 : i32
    %c0_i32_1 = arith.constant 0 : i32
    return %c0_i32, %c0_i32_0 : i32, i32
  }
  func.func @transform_8(%arg0: i32, %arg1: i32) -> (i32, i32) {
    %c0_i32 = arith.constant 0 : i32
    %c0_i32_0 = arith.constant 0 : i32
    %c0_i32_1 = arith.constant 0 : i32
    return %c0_i32, %c0_i32_0 : i32, i32
  }
  func.func @transform_9(%arg0: i32, %arg1: i32) -> (i32, i32, i32) {
    %add3A = arith.constant 0 : i32
    %add3A_0 = arith.addi %arg0, %add3A : i32
    %c0_i32 = arith.constant 0 : i32
    %c0_i32_1 = arith.constant 0 : i32
    return %add3A_0, %arg1, %c0_i32 : i32, i32, i32
  }
}

</mosaic_0001>

<sc_bundles>
// kernel: kernel.6.cloned.1.call-start
scs
__scs_entry_jumppad:
0x0: {  	(pc) =	sbr.rel $0x88, $3  }
0x1: {  	(tag) =	ssettag $0x0;
	lr =	simm.s32 $0x1  }
0x2: {  	[smem:$0x3F91] =	sst lr;
	_ =	strace $0xD0000000  }
0x3: {  	_ = 	snop  }
0x4: {  	_ = 	snop  }
0x5: {  	_ = 	snop  }
0x6: {  	_ = 	snop  }
0x7: {  	_ = 	snop  }
__scs_overlays_trampoline_lowered:
0x8: {  	[smem:$0x3FA0] =	sst s0  }
0x9: {  	[smem:$0x3FA1] =	sst s1  }
0xa: {  	[smem:$0x3FA2] =	sst s2  }
0xb: {  	[smem:$0x3FA3] =	sst s3  }
0xc: {  	[smem:$0x3FA4] =	sst s4  }
0xd: {  	[smem:$0x3FA5] =	sst s5  }
0xe: {  	[smem:$0x3FA6] =	sst s6  }
0xf: {  	[smem:$0x3FA7] =	sst s7  }
0x10: {  	[smem:$0x3FA8] =	sst s8  }
0x11: {  	[smem:$0x3FA9] =	sst s9;
	s0 =	simm.s32 @!p0 $0x0  }
0x12: {  	s1 =	sld [smem:$0x3F8F];
	s0 =	simm.s32 @p0 $0x1  }
0x13: {  	[smem:$0x3FAA] =	sst s0;
	s0 =	simm.s32 @!p1 $0x0  }
0x14: {  	s2 =	sld [smem:$0x3F8E];
	s0 =	simm.s32 @p1 $0x1  }
0x15: {  	[smem:$0x3FAB] =	sst s0;
	s0 =	simm.s32 @!p2 $0x0  }
0x16: {  	s3 =	sld [smem:$0x3FDB];
	s0 =	simm.s32 @p2 $0x1  }
0x17: {  	s4 =	simm.s32 $0x1BF5;
	[smem:$0x3FAD] =	sst s0  }
0x18: {  	s0 =	sld [smem:$0x3F90];
	_ =	swait.ge [sflag:s4], $0x0  }
0x19: {  	s7 =	sld [smem:$0x3F91]  }
0x1a: {  	s8 =	sadd.s32 $0xFFFFE003, lr  }
0x1b: {  	s9 =	sadd.s32 $0xFFFFFEF7, lr;
	s5 =	simm.s32 $0xFFFFFFFF;
	p2 =	slt.u32 s8, $0xFFFFF086  }
0x1c: {  	p1 =	slt.u32 s9, $0xF7A;
	s5 =	simm.s32 @!p2 $0x0  }
0x1d: {  	s5 =	simm.s32 @p1 $0x1;
	p0 =	seq.s32 s7, s2  }
0x1e: {  	s7 =	smul.u32 @!p0 $0xF7A, s2;
	p2 =	seq.s32 @!p0 s5, $0x0  }
0x1f: {  	s9 =	smul.u32 $0xF7A, s1;
	s8 =	simm.s32 @!p0 $0x1BF5;
	p2 =	por !p2, p0  }
0x20: {  	[sflag:s8] =	ssyncset.s32 @!p0 $0xFFFFF086;
	s6 =	sadd.s32 @!p0 s3, s7;
	s7 =	simm.s32 @!p0 $0x108  }
0x21: {  	s3 =	sadd.s32 s3, s9;
	s6 =	sadd.s32 @!p0 $0x88, s6;
	s7 =	simm.s32 @p2 $0x1082  }
0x22: {  	[simem:s7], [sflag:s8] =	dma.local @!p0 [hbm:s6], $0xF7A  }
0x23: {  	s9 =	sor.u32 $0xD0000000, s2;
	s6 =	simm.s32 $0x108;
	_ =	swait.ge @!p0 [sflag:s8], $0x0  }
0x24: {  	s3 =	sadd.s32 $0x88, s3;
	s6 =	simm.s32 @!p1 $0x1082;
	[sflag:s4] =	ssyncset.s32 $0xFFFFF086  }
0x25: {  	[simem:s6], [sflag:s4] =	dma.local [hbm:s3], $0xF7A  }
0x26: {  	[smem:$0x3F91] =	sst s1;
	(tag) =	ssettag s2;
	_ =	strace s9  }
0x27: {  	s1 =	sld [smem:$0x3FA1]  }
0x28: {  	s2 =	sld [smem:$0x3FA2]  }
0x29: {  	s4 =	sld [smem:$0x3FA4]  }
0x2a: {  	p0 =	seq.s32 s5, $0x0;
	s5 =	sld [smem:$0x3FA5]  }
0x2b: {  	s6 =	sld [smem:$0x3FA6]  }
0x2c: {  	s7 =	sld [smem:$0x3FA7]  }
0x2d: {  	s3 =	simm.s32 $0x108;
	s8 =	sld [smem:$0x3FA8]  }
0x2e: {  	s3 =	simm.s32 @!p0 $0x1082;
	s9 =	sld [smem:$0x3FA9]  }
0x2f: {  	lr =	sadd.s32 s0, s3;
	s0 =	sld [smem:$0x3FA0]  }
0x30: {  	s3 =	sld [smem:$0x3FA3]  }
0x31: {  	[smem:$0x3FAC] =	sst s10  }
0x32: {  	s10 =	sld [smem:$0x3FAA];
	_ =	sdelay $0x3  }
0x33: {  	p0 =	seq.s32 s10, $0x1;
	s10 =	sld [smem:$0x3FAC];
	_ =	sdelay $0x3  }
0x34: {  	[smem:$0x3FAC] =	sst s10  }
0x35: {  	s10 =	sld [smem:$0x3FAB];
	_ =	sdelay $0x3  }
0x36: {  	p1 =	seq.s32 s10, $0x1;
	s10 =	sld [smem:$0x3FAC];
	_ =	sdelay $0x3  }
0x37: {  	[smem:$0x3FAC] =	sst s10  }
0x38: {  	s10 =	sld [smem:$0x3FAD]  }
0x39: {  	_ = 	snop;
	(pc) =	sbr.ind lr, $3  }
0x3a: {  	_ = 	snop  }
0x3b: {  	_ = 	snop  }
0x3c: {  	p2 =	seq.s32 s10, $0x1;
	s10 =	sld [smem:$0x3FAC]  }
0x3d: {  	_ =	shalt  }
0x3e: {  	_ =	shalt  }
0x3f: {  	_ =	shalt  }
0x40: {  	_ =	shalt  }
0x41: {  	_ =	shalt  }
0x42: {  	_ =	shalt  }
0x43: {  	_ =	shalt  }
0x44: {  	_ =	shalt  }
0x45: {  	_ =	shalt  }
0x46: {  	_ =	shalt  }
0x47: {  	_ =	shalt  }
0x48: {  	_ =	shalt  }
0x49: {  	_ =	shalt  }
0x4a: {  	_ =	shalt  }
0x4b: {  	_ =	shalt  }
0x4c: {  	_ =	shalt  }
0x4d: {  	_ =	shalt  }
0x4e: {  	_ =	shalt  }
0x4f: {  	_ =	shalt  }
0x50: {  	_ =	shalt  }
0x51: {  	_ =	shalt  }
0x52: {  	_ =	shalt  }
0x53: {  	_ =	shalt  }
0x54: {  	_ =	shalt  }
0x55: {  	_ =	shalt  }
0x56: {  	_ =	shalt  }
0x57: {  	_ =	shalt  }
0x58: {  	_ =	shalt  }
0x59: {  	_ =	shalt  }
0x5a: {  	_ =	shalt  }
0x5b: {  	_ =	shalt  }
0x5c: {  	_ =	shalt  }
0x5d: {  	_ =	shalt  }
0x5e: {  	_ =	shalt  }
0x5f: {  	_ =	shalt  }
0x60: {  	_ =	shalt  }
0x61: {  	_ =	shalt  }
0x62: {  	_ =	shalt  }
0x63: {  	_ =	shalt  }
0x64: {  	_ =	shalt  }
0x65: {  	_ =	shalt  }
0x66: {  	_ =	shalt  }
0x67: {  	_ =	shalt  }
0x68: {  	_ =	shalt  }
0x69: {  	_ =	shalt  }
0x6a: {  	_ =	shalt  }
0x6b: {  	_ =	shalt  }
0x6c: {  	_ =	shalt  }
0x6d: {  	_ =	shalt  }
0x6e: {  	_ =	shalt  }
0x6f: {  	_ =	shalt  }
0x70: {  	_ =	shalt  }
0x71: {  	_ =	shalt  }
0x72: {  	_ =	shalt  }
0x73: {  	_ =	shalt  }
0x74: {  	_ =	shalt  }
0x75: {  	_ =	shalt  }
0x76: {  	_ =	shalt  }
0x77: {  	_ =	shalt  }
0x78: {  	_ =	shalt  }
0x79: {  	_ =	shalt  }
0x7a: {  	_ =	shalt  }
0x7b: {  	_ =	shalt  }
0x7c: {  	_ =	shalt  }
0x7d: {  	_ =	shalt  }
0x7e: {  	_ =	shalt  }
0x7f: {  	_ =	shalt  }
0x80: {  	_ =	shalt  }
0x81: {  	_ =	shalt  }
0x82: {  	_ =	shalt  }
0x83: {  	_ =	shalt  }
0x84: {  	_ =	shalt  }
0x85: {  	_ =	shalt  }
0x86: {  	_ =	shalt  }
0x87: {  	_ =	shalt  }
.Lfunc_end0:
.L_simem_size_0:
called_computation_lowered:
.L_overlay_start_0:
0x88: {  	s2 =	sld [smem:$0x3FD9]  }
0x89: {  	s3 =	sld [smem:$0x3FFE];
	_ =	sdelay $0x1  }
0x8a: {  	s1 =	srdreg.scid  }
0x8b: {  	s0 =	sand.u32 $0x1, s1  }
0x8c: {  	s14 =	sshll.u32 s0, $0xA;
	s2 =	sadd.s32 s3, s2  }
0x8d: {  	s2 =	sadd.s32 s2, s14  }
0x8e: {  	[smem:$0x3FB8] =	sst s2  }
0x8f: {  	_ = 	snop  }
0x90: {  	s2 =	sld [smem:$0x3FD0];
	_ =	sdelay $0x2  }
0x91: {  	s15 =	simm.s32 $0xB;
	s4 =	simm.s32 $0x10  }
0x92: {  	[smem:s4], [sflag:s15] =	dma.local [hbm:s2], $0x1  }
0x93: {  	_ =	swait.eq [sflag:s15], $0x1  }
0x94: {  	[sflag:s15] =	ssyncset.done $0x0  }
0x95: {  	[sflag:s15] =	ssyncadd.s32 $0xFFFFFFFF  }
0x96: {  	s16 =	sld [smem:$0x10];
	(tm) =	ssettm $0x1  }
0x97: {  	s17 =	sld [smem:$0x3FFB];
	_ =	sdelay $0x3  }
0x98: {  	_ =	strace s17  }
0x99: {  	s3 =	sld [smem:$0x3FFC];
	_ =	sdelay $0x3  }
0x9a: {  	_ =	strace s3  }
0x9b: {  	s3 =	sld [smem:$0x3FFD];
	_ =	sdelay $0x3  }
0x9c: {  	_ =	strace s3  }
0x9d: {  	_ =	strace $0x8FFFFFFF  }
0x9e: {  	s18 =	sld [smem:$0x3FDB];
	_ =	sdelay $0x1  }
0x9f: {  	s19 =	simm.s32 $_scs_section_size  }
0xa0: {  	s5 =	simm.s32 $_size__tile_overlayer_lowered;
	s6 =	simm.s32 $_tile_overlayer_lowered  }
0xa1: {  	s22 =	simm.s32 $0x1BFF;
	s21 =	sshll.u32 s6, $0x1;
	s3 =	sadd.s32 s19, s18  }
0xa2: {  	s7 =	simm.s32 $0x0;
	s20 =	sshll.u32 s5, $0x1;
	s5 =	sadd.s32 s21, s3  }
0xa3: {  	[timem:s7], [sflag:s22] =	dma.local [hbm:s5], s20  }
0xa4: {  	_ =	swait.ge [sflag:s22], s20  }
0xa5: {  	s4 =	ssub.s32 $0x0, s20;
	[sflag:s22] =	ssyncset.done $0x0  }
0xa6: {  	[sflag:s22] =	ssyncadd.s32 s4;
	_ =	sdelay $0x1  }
0xa7: {  	s23 =	simm.s32 $0x1B8B  }
0xa8: {  	_ =	swait.ge [sflag:s23], $0x1  }
0xa9: {  	[sflag:s23] =	ssyncset.done $0x0  }
0xaa: {  	s25 =	simm.s32 $0x1B8E;
	s24 =	sld [smem:$0x3FFE];
	[sflag:s23] =	ssyncadd.s32 $0xFFFFFFFF  }
0xab: {  	s26 =	simm.s32 $execute0_lowered;
	[smem:$0x3FD2] =	sst s25  }
0xac: {  	s5 =	sshll.u32 s26, $0x1;
	_ =	strace $0x80000046;
	[dreg:$0x1] =	wrdreg $0xFFFFFFFF  }
0xad: {  	s28 =	simm.s32 $_size_execute0_lowered;
	s3 =	sadd.s32 s3, s5;
	[dreg:$0x0] =	wrdreg $0x0  }
0xae: {  	s5 =	sshll.u32 s28, $0x1;
	[dreg:$0x2] =	wrdreg s3  }
0xaf: {  	[dreg:$0x3] =	wrdreg s5  }
0xb0: {  	[dreg:$0x4] =	wrdreg $0xC0  }
0xb1: {  	_ =	task [dreg:s7], $0x5FFFF  }
0xb2: {  	[dreg:$0x1] =	wrdreg $0xFFFFFFFF  }
0xb3: {  	[dreg:$0x0] =	wrdreg $0x60  }
0xb4: {  	[dreg:$0x2] =	wrdreg s24  }
0xb5: {  	[dreg:$0x3] =	wrdreg s16  }
0xb6: {  	[dreg:$0x4] =	wrdreg $0x9  }
0xb7: {  	_ =	task.clear_ibuf [dreg:s7], $0x5FFFF;
	_ =	strace $0x90000046  }
0xb8: {  	s29 =	simm.s32 $0x9;
	_ =	strace $0x80000048  }
0xb9: {  	_ =	swait.ge [sflag:s29], $0x1  }
0xba: {  	[sflag:s29] =	ssyncadd.s32 $0xFFFFFFFF  }
0xbb: {  	_ =	strace $0x90000048  }
0xbc: {  	_ =	sfence  }
0xbd: {  	s30 =	sld [smem:$0x0];
	_ =	sdelay $0x2  }
0xbe: {  	s31 =	sshll.u32 s1, $0xD;
	s1 =	sshrl.u32 s1, $0x2  }
0xbf: {  	s3 =	sand.u32 $0x4000, s31;
	s1 =	sadd.s32 s1, s30  }
0xc0: {  	s0 =	sor.u32 s3, s0;
	s1 =	sshll.u32 s1, $0x11  }
0xc1: {  	s0 =	sor.u32 s1, s0  }
0xc2: {  	s0 =	sadd.s32 $0x8F2B, s0  }
0xc3: {  	[sflag:s0] =	ssyncadd.remote.s32 $0x1  }
0xc4: {  	_ =	sfence.sel $0xFFFF  }
0xc5: {  	[dreg:$0x0] =	wrdreg $0xFFFFFFFF;
	(pc) =	sbr.abs _section_cstart, $3  }
0xc6: {  	[dreg:$0x1] =	wrdreg $0xFFFFFFFF  }
0xc7: {  	_ =	task.clear_ibuf [dreg:s7], $0x2FFFF;
	_ =	strace $0x9FFFFFFF  }
0xc8: {  	(tm) =	ssettm $0x7FFFFFFF  }
0xc9: {  	_ =	shalt  }
tec
execute0_lowered:
.L_overlay_start_1:
0x0: {  	(tag) =	ssettag $0x1  }
0x1: {  	s1 =	srdreg.scid  }
0x2: {  	s0 =	stileid.u32;
	s12 =	sand.u32 $0x1, s1  }
0x3: {  	s31 =	sshll.u32 s0, $0x9;
	s2 =	sshll.u32 s12, $0x8  }
0x4: {  	s5 =	rddreg [dreg:$0x0];
	s11 =	sor.u32 s2, s31  }
0x5: {  	s10 =	rddreg [dreg:$0x1];
	s2 =	simm.s32 $0x0;
	s3 =	sshrl.u32 s11, $0x3  }
0x6: {  	s4 =	simm.s32 $0x5;
	[smem:$0x7FF] =	sst s2;
	s3 =	sadd.s32 s3, s5  }
0x7: {  	s1 =	rddreg [dreg:$0x2];
	_ =	strace $0x80000047;
	s3 =	sadd.s32 $0xA400, s3  }
0x8: {  	[tilespmem:s2], [sflag:$0x5] =	stream.linear.gather [hbm4b:s3+s2], $0x100, $0x38;
	[tilespmem:$0x8100] =	vst v63  }
0x9: {  	_ =	swait.ge [sflag:s4], $0x100  }
0xa: {  	s6 =	simm.s32 $0x80;
	[sflag:s4] =	ssyncset.done $0x0  }
0xb: {  	s7 =	simm.s32 $0x100;
	s5 =	sadd.s32 $0x2400, s5;
	[sflag:s4] =	ssyncadd.s32 $0xFFFFFF00  }
0xc: {  	[tilespmem:s7], [sflag:$0x1] =	stream.indirect.gather [hbm4b:s5+s6], $0x80, s2, s6, $0xb8;
	[tilespmem:$0x8100] =	vst v63  }
0xd: {  	s8 =	simm.s32 $0x4100;
	s9 =	simm.s32 $0x1  }
0xe: {  	[tilespmem:s8], [sflag:$0x2] =	stream.indirect.gather [hbm4b:s5+s6], $0x80, s6, s6, $0xb8;
	[tilespmem:$0x8100] =	vst v63  }
0xf: {  	s14 =	ssub.s32 $0x2, s12;
	_ =	swait.ge [sflag:s9], $0x4000  }
0x10: {  	s15 =	sshrl.u32 s14, $0x1;
	s11 =	sshll.u32 s11, $0x4;
	[sflag:s9] =	ssyncset.done $0x0  }
0x11: {  	s10 =	sadd.s32 s10, s11;
	s11 =	simm.s32 $0x2;
	[sflag:s9] =	ssyncadd.s32 $0xFFFFC000  }
0x12: {  	[hbm4b:s10+s2] =	stream.linear.scatter [tilespmem:s7], [sflag:$0x3], $0x4000, $0x38;
	[tilespmem:$0x8100] =	vst v63  }
0x13: {  	s14 =	ssub.s32 s14, s15;
	_ =	swait.ge [sflag:s11], $0x4000  }
0x14: {  	s13 =	simm.s32 $0x3;
	s15 =	smax.u32 s14, $0x1;
	[sflag:s11] =	ssyncset.done $0x0  }
0x15: {  	s12 =	sadd.s32 $0x800, s10;
	p0 =	sne.s32 s15, $0x1;
	[sflag:s11] =	ssyncadd.s32 $0xFFFFC000  }
0x16: {  	[hbm4b:s12+s2] =	stream.linear.scatter [tilespmem:s8], [sflag:$0x4], $0x4000, $0x38;
	[tilespmem:$0x8100] =	vst v63  }
.Ltmp0:
0x17: {  	_ =	swait.ge [sflag:s13], $0x4000;
	(pc) =	sbr.rel @!p0 .LBB2_2-.Ltmp0, $4  }
0x18: {  	[sflag:s13] =	ssyncset.done $0x0  }
0x19: {  	s14 =	simm.s32 $0x4;
	[sflag:s13] =	ssyncadd.s32 $0xFFFFC000  }
0x1a: {  	_ =	swait.ge [sflag:s14], $0x4000  }
0x1b: {  	s15 =	sadd.s32 $0xFFFFFFFF, s15;
	[sflag:s14] =	ssyncset.done $0x0  }
.LBB2_1:
0x1c: {  	p0 =	sne.s32 s15, $0x1;
	s15 =	sadd.s32 $0xFFFFFFFF, s15;
	[sflag:s14] =	ssyncadd.s32 $0xFFFFC000  }
0x1d: {  	[tilespmem:s2], [sflag:$0x5] =	stream.linear.gather [hbm4b:s3+s2], $0x100, $0x38;
	[tilespmem:$0x8100] =	vst v63  }
0x1e: {  	_ =	swait.ge [sflag:s4], $0x100  }
0x1f: {  	[sflag:s4] =	ssyncset.done $0x0  }
0x20: {  	[sflag:s4] =	ssyncadd.s32 $0xFFFFFF00  }
0x21: {  	[tilespmem:s7], [sflag:$0x1] =	stream.indirect.gather [hbm4b:s5+s6], $0x80, s2, s6, $0xb8;
	[tilespmem:$0x8100] =	vst v63  }
0x22: {  	_ = 	snop  }
0x23: {  	[tilespmem:s8], [sflag:$0x2] =	stream.indirect.gather [hbm4b:s5+s6], $0x80, s6, s6, $0xb8;
	[tilespmem:$0x8100] =	vst v63  }
0x24: {  	_ =	swait.ge [sflag:s9], $0x4000  }
0x25: {  	[sflag:s9] =	ssyncset.done $0x0  }
0x26: {  	[sflag:s9] =	ssyncadd.s32 $0xFFFFC000  }
0x27: {  	[hbm4b:s10+s2] =	stream.linear.scatter [tilespmem:s7], [sflag:$0x3], $0x4000, $0x38;
	[tilespmem:$0x8100] =	vst v63  }
0x28: {  	_ =	swait.ge [sflag:s11], $0x4000  }
0x29: {  	[sflag:s11] =	ssyncset.done $0x0  }
0x2a: {  	[sflag:s11] =	ssyncadd.s32 $0xFFFFC000  }
0x2b: {  	[hbm4b:s12+s2] =	stream.linear.scatter [tilespmem:s8], [sflag:$0x4], $0x4000, $0x38;
	[tilespmem:$0x8100] =	vst v63  }
.Ltmp1:
0x2c: {  	_ =	swait.ge [sflag:s13], $0x4000;
	(pc) =	sbr.rel @p0 .LBB2_1-.Ltmp1, $4  }
0x2d: {  	[sflag:s13] =	ssyncset.done $0x0  }
0x2e: {  	[sflag:s13] =	ssyncadd.s32 $0xFFFFC000  }
0x2f: {  	_ =	swait.ge [sflag:s14], $0x4000  }
0x30: {  	[sflag:s14] =	ssyncset.done $0x0  }
.LBB2_2:
0x31: {  	[sflag:s14] =	ssyncadd.s32 $0xFFFFC000  }
0x32: {  	_ =	sfence.sel $0x180000  }
0x33: {  	[bflag:$0x0] =	sbarrier.arrive $0xFFFF  }
0x34: {  	p0 =	sne.s32 s0, $0x0;
	_ =	strace $0x90000047  }
0x35: {  	s0 =	sadd.s32 @!p0 $0x100000, s1;
	[bflag:$0x2] =	sbarrier.arrive $0xFFFF  }
0x36: {  	[sflag:s0] =	ssyncadd.tile.s32 @!p0 $0x1;
	_ =	shalt  }
.Lfunc_end2:
_tile_overlayer_lowered:
.L_overlay_start_2:
0x37: {  	(tag) =	ssettag $0x2  }
0x38: {  	s0 =	rddreg [dreg:$0x0];
	s2 =	stileid.u32  }
0x39: {  	s1 =	rddreg [dreg:$0x1];
	p0 =	sne.s32 s2, $0x0  }
0x3a: {  	s3 =	rddreg [dreg:$0x2];
	[bflag:$0x3] =	sbarrier.arrive $0xFFFF;
	s2 =	simm.s32 @!p0 $0x1C05  }
0x3b: {  	[timem:s3], [sflag:s2] =	dma.local @!p0 [hbm:s0], s1  }
0x3c: {  	s0 =	simm.s32 @!p0 $0x5  }
0x3d: {  	_ =	swait.ge @!p0 [sflag:s0], s1  }
0x3e: {  	s1 =	ssub.s32 @!p0 $0x0, s1;
	[sflag:s0] =	ssyncset.done @!p0 $0x0  }
0x3f: {  	[sflag:s0] =	ssyncadd.s32 @!p0 s1  }
0x40: {  	[bflag:$0x3] =	sbarrier.arrive $0xFFFF  }
0x41: {  	_ =	shalt  }

// kernel: kernel.9.cloned.1.call-start
scs
__scs_entry_jumppad:
0x0: {  	(pc) =	sbr.rel $0x88, $3  }
0x1: {  	(tag) =	ssettag $0x0;
	lr =	simm.s32 $0x1  }
0x2: {  	[smem:$0x3F91] =	sst lr;
	_ =	strace $0xD0000000  }
0x3: {  	_ = 	snop  }
0x4: {  	_ = 	snop  }
0x5: {  	_ = 	snop  }
0x6: {  	_ = 	snop  }
0x7: {  	_ = 	snop  }
__scs_overlays_trampoline_lowered:
0x8: {  	[smem:$0x3FA0] =	sst s0  }
0x9: {  	[smem:$0x3FA1] =	sst s1  }
0xa: {  	[smem:$0x3FA2] =	sst s2  }
0xb: {  	[smem:$0x3FA3] =	sst s3  }
0xc: {  	[smem:$0x3FA4] =	sst s4  }
0xd: {  	[smem:$0x3FA5] =	sst s5  }
0xe: {  	[smem:$0x3FA6] =	sst s6  }
0xf: {  	[smem:$0x3FA7] =	sst s7  }
0x10: {  	[smem:$0x3FA8] =	sst s8  }
0x11: {  	[smem:$0x3FA9] =	sst s9;
	s0 =	simm.s32 @!p0 $0x0  }
0x12: {  	s1 =	sld [smem:$0x3F8F];
	s0 =	simm.s32 @p0 $0x1  }
0x13: {  	[smem:$0x3FAA] =	sst s0;
	s0 =	simm.s32 @!p1 $0x0  }
0x14: {  	s2 =	sld [smem:$0x3F8E];
	s0 =	simm.s32 @p1 $0x1  }
0x15: {  	[smem:$0x3FAB] =	sst s0;
	s0 =	simm.s32 @!p2 $0x0  }
0x16: {  	s3 =	sld [smem:$0x3FDB];
	s0 =	simm.s32 @p2 $0x1  }
0x17: {  	s4 =	simm.s32 $0x1BF5;
	[smem:$0x3FAD] =	sst s0  }
0x18: {  	s0 =	sld [smem:$0x3F90];
	_ =	swait.ge [sflag:s4], $0x0  }
0x19: {  	s7 =	sld [smem:$0x3F91]  }
0x1a: {  	s8 =	sadd.s32 $0xFFFFE003, lr  }
0x1b: {  	s9 =	sadd.s32 $0xFFFFFEF7, lr;
	s5 =	simm.s32 $0xFFFFFFFF;
	p2 =	slt.u32 s8, $0xFFFFF086  }
0x1c: {  	p1 =	slt.u32 s9, $0xF7A;
	s5 =	simm.s32 @!p2 $0x0  }
0x1d: {  	s5 =	simm.s32 @p1 $0x1;
	p0 =	seq.s32 s7, s2  }
0x1e: {  	s7 =	smul.u32 @!p0 $0xF7A, s2;
	p2 =	seq.s32 @!p0 s5, $0x0  }
0x1f: {  	s9 =	smul.u32 $0xF7A, s1;
	s8 =	simm.s32 @!p0 $0x1BF5;
	p2 =	por !p2, p0  }
0x20: {  	[sflag:s8] =	ssyncset.s32 @!p0 $0xFFFFF086;
	s6 =	sadd.s32 @!p0 s3, s7;
	s7 =	simm.s32 @!p0 $0x108  }
0x21: {  	s3 =	sadd.s32 s3, s9;
	s6 =	sadd.s32 @!p0 $0x88, s6;
	s7 =	simm.s32 @p2 $0x1082  }
0x22: {  	[simem:s7], [sflag:s8] =	dma.local @!p0 [hbm:s6], $0xF7A  }
0x23: {  	s9 =	sor.u32 $0xD0000000, s2;
	s6 =	simm.s32 $0x108;
	_ =	swait.ge @!p0 [sflag:s8], $0x0  }
0x24: {  	s3 =	sadd.s32 $0x88, s3;
	s6 =	simm.s32 @!p1 $0x1082;
	[sflag:s4] =	ssyncset.s32 $0xFFFFF086  }
0x25: {  	[simem:s6], [sflag:s4] =	dma.local [hbm:s3], $0xF7A  }
0x26: {  	[smem:$0x3F91] =	sst s1;
	(tag) =	ssettag s2;
	_ =	strace s9  }
0x27: {  	s1 =	sld [smem:$0x3FA1]  }
0x28: {  	s2 =	sld [smem:$0x3FA2]  }
0x29: {  	s4 =	sld [smem:$0x3FA4]  }
0x2a: {  	p0 =	seq.s32 s5, $0x0;
	s5 =	sld [smem:$0x3FA5]  }
0x2b: {  	s6 =	sld [smem:$0x3FA6]  }
0x2c: {  	s7 =	sld [smem:$0x3FA7]  }
0x2d: {  	s3 =	simm.s32 $0x108;
	s8 =	sld [smem:$0x3FA8]  }
0x2e: {  	s3 =	simm.s32 @!p0 $0x1082;
	s9 =	sld [smem:$0x3FA9]  }
0x2f: {  	lr =	sadd.s32 s0, s3;
	s0 =	sld [smem:$0x3FA0]  }
0x30: {  	s3 =	sld [smem:$0x3FA3]  }
0x31: {  	[smem:$0x3FAC] =	sst s10  }
0x32: {  	s10 =	sld [smem:$0x3FAA];
	_ =	sdelay $0x3  }
0x33: {  	p0 =	seq.s32 s10, $0x1;
	s10 =	sld [smem:$0x3FAC];
	_ =	sdelay $0x3  }
0x34: {  	[smem:$0x3FAC] =	sst s10  }
0x35: {  	s10 =	sld [smem:$0x3FAB];
	_ =	sdelay $0x3  }
0x36: {  	p1 =	seq.s32 s10, $0x1;
	s10 =	sld [smem:$0x3FAC];
	_ =	sdelay $0x3  }
0x37: {  	[smem:$0x3FAC] =	sst s10  }
0x38: {  	s10 =	sld [smem:$0x3FAD]  }
0x39: {  	_ = 	snop;
	(pc) =	sbr.ind lr, $3  }
0x3a: {  	_ = 	snop  }
0x3b: {  	_ = 	snop  }
0x3c: {  	p2 =	seq.s32 s10, $0x1;
	s10 =	sld [smem:$0x3FAC]  }
0x3d: {  	_ =	shalt  }
0x3e: {  	_ =	shalt  }
0x3f: {  	_ =	shalt  }
0x40: {  	_ =	shalt  }
0x41: {  	_ =	shalt  }
0x42: {  	_ =	shalt  }
0x43: {  	_ =	shalt  }
0x44: {  	_ =	shalt  }
0x45: {  	_ =	shalt  }
0x46: {  	_ =	shalt  }
0x47: {  	_ =	shalt  }
0x48: {  	_ =	shalt  }
0x49: {  	_ =	shalt  }
0x4a: {  	_ =	shalt  }
0x4b: {  	_ =	shalt  }
0x4c: {  	_ =	shalt  }
0x4d: {  	_ =	shalt  }
0x4e: {  	_ =	shalt  }
0x4f: {  	_ =	shalt  }
0x50: {  	_ =	shalt  }
0x51: {  	_ =	shalt  }
0x52: {  	_ =	shalt  }
0x53: {  	_ =	shalt  }
0x54: {  	_ =	shalt  }
0x55: {  	_ =	shalt  }
0x56: {  	_ =	shalt  }
0x57: {  	_ =	shalt  }
0x58: {  	_ =	shalt  }
0x59: {  	_ =	shalt  }
0x5a: {  	_ =	shalt  }
0x5b: {  	_ =	shalt  }
0x5c: {  	_ =	shalt  }
0x5d: {  	_ =	shalt  }
0x5e: {  	_ =	shalt  }
0x5f: {  	_ =	shalt  }
0x60: {  	_ =	shalt  }
0x61: {  	_ =	shalt  }
0x62: {  	_ =	shalt  }
0x63: {  	_ =	shalt  }
0x64: {  	_ =	shalt  }
0x65: {  	_ =	shalt  }
0x66: {  	_ =	shalt  }
0x67: {  	_ =	shalt  }
0x68: {  	_ =	shalt  }
0x69: {  	_ =	shalt  }
0x6a: {  	_ =	shalt  }
0x6b: {  	_ =	shalt  }
0x6c: {  	_ =	shalt  }
0x6d: {  	_ =	shalt  }
0x6e: {  	_ =	shalt  }
0x6f: {  	_ =	shalt  }
0x70: {  	_ =	shalt  }
0x71: {  	_ =	shalt  }
0x72: {  	_ =	shalt  }
0x73: {  	_ =	shalt  }
0x74: {  	_ =	shalt  }
0x75: {  	_ =	shalt  }
0x76: {  	_ =	shalt  }
0x77: {  	_ =	shalt  }
0x78: {  	_ =	shalt  }
0x79: {  	_ =	shalt  }
0x7a: {  	_ =	shalt  }
0x7b: {  	_ =	shalt  }
0x7c: {  	_ =	shalt  }
0x7d: {  	_ =	shalt  }
0x7e: {  	_ =	shalt  }
0x7f: {  	_ =	shalt  }
0x80: {  	_ =	shalt  }
0x81: {  	_ =	shalt  }
0x82: {  	_ =	shalt  }
0x83: {  	_ =	shalt  }
0x84: {  	_ =	shalt  }
0x85: {  	_ =	shalt  }
0x86: {  	_ =	shalt  }
0x87: {  	_ =	shalt  }
.Lfunc_end0:
.L_simem_size_0:
called_computation.1_lowered:
.L_overlay_start_0:
0x88: {  	s2 =	sld [smem:$0x3FD9]  }
0x89: {  	s3 =	sld [smem:$0x3FFE];
	_ =	sdelay $0x1  }
0x8a: {  	s1 =	srdreg.scid  }
0x8b: {  	s0 =	sand.u32 $0x1, s1  }
0x8c: {  	s17 =	sshll.u32 s0, $0xA;
	s2 =	sadd.s32 s3, s2  }
0x8d: {  	s2 =	sadd.s32 s2, s17  }
0x8e: {  	[smem:$0x3FB8] =	sst s2  }
0x8f: {  	_ = 	snop  }
0x90: {  	(tm) =	ssettm $0x1  }
0x91: {  	s18 =	sld [smem:$0x3FFB];
	_ =	sdelay $0x3  }
0x92: {  	_ =	strace s18  }
0x93: {  	s2 =	sld [smem:$0x3FFC];
	_ =	sdelay $0x3  }
0x94: {  	_ =	strace s2  }
0x95: {  	s2 =	sld [smem:$0x3FFD];
	_ =	sdelay $0x3  }
0x96: {  	_ =	strace s2  }
0x97: {  	_ =	strace $0x8FFFFFFF  }
0x98: {  	s19 =	sld [smem:$0x3FDB];
	_ =	sdelay $0x1  }
0x99: {  	s20 =	simm.s32 $_scs_section_size  }
0x9a: {  	s4 =	simm.s32 $_size__tile_overlayer_lowered;
	s5 =	simm.s32 $_tile_overlayer_lowered  }
0x9b: {  	s6 =	simm.s32 $0x1BFF;
	s21 =	sshll.u32 s5, $0x1;
	s3 =	sadd.s32 s20, s19  }
0x9c: {  	s22 =	simm.s32 $0x0;
	s4 =	sshll.u32 s4, $0x1;
	s5 =	sadd.s32 s21, s3  }
0x9d: {  	[timem:s22], [sflag:s6] =	dma.local [hbm:s5], s4  }
0x9e: {  	_ =	swait.ge [sflag:s6], s4  }
0x9f: {  	s4 =	ssub.s32 $0x0, s4;
	[sflag:s6] =	ssyncset.done $0x0  }
0xa0: {  	[sflag:s6] =	ssyncadd.s32 s4;
	_ =	sdelay $0x1  }
0xa1: {  	s23 =	simm.s32 $0x1B8B  }
0xa2: {  	_ =	swait.ge [sflag:s23], $0x1  }
0xa3: {  	[sflag:s23] =	ssyncset.done $0x0  }
0xa4: {  	[sflag:s23] =	ssyncadd.s32 $0xFFFFFFFF  }
0xa5: {  	s4 =	sld [smem:$0x0]  }
0xa6: {  	s5 =	sand.u32 $0xFFFFFFFE, s1  }
0xa7: {  	p0 =	sne.s32 s1, s5  }
0xa8: {  	s5 =	sshll.u32 @p0 s5, $0xE  }
0xa9: {  	s5 =	sadd.s32 @p0 $0x11B8D, s5;
	s6 =	sshll.u32 @p0 s4, $0x11  }
0xaa: {  	s5 =	sor.u32 @p0 s6, s5  }
0xab: {  	[sflag:s5] =	ssyncadd.remote.s32 @p0 $0x1;
	_ =	sdelay $0x1  }
0xac: {  	s5 =	simm.s32 @p0 $0x1B8D  }
0xad: {  	_ =	swait.eq @p0 [sflag:s5], $0x1  }
0xae: {  	[sflag:s5] =	ssyncadd.s32 @p0 $0xFFFFFFFF  }
0xaf: {  	s6 =	sshll.u32 @!p0 s1, $0xE  }
0xb0: {  	s6 =	sor.u32 @!p0 $0x4000, s6;
	s5 =	simm.s32 @!p0 $0x1B8D  }
0xb1: {  	s4 =	sshll.u32 @!p0 s4, $0x11;
	s6 =	sadd.s32 @!p0 $0x11B8D, s6;
	_ =	swait.eq @!p0 [sflag:s5], $0x1  }
0xb2: {  	s4 =	sor.u32 @!p0 s4, s6;
	[sflag:s5] =	ssyncadd.s32 @!p0 $0xFFFFFFFF  }
0xb3: {  	s25 =	simm.s32 $0x1B8E;
	s24 =	sld [smem:$0x3FFE];
	[sflag:s4] =	ssyncadd.remote.s32 @!p0 $0x1  }
0xb4: {  	s26 =	simm.s32 $execute0_lowered;
	[smem:$0x3FD2] =	sst s25  }
0xb5: {  	s5 =	sshll.u32 s26, $0x1;
	_ =	strace $0x80000049;
	[dreg:$0x1] =	wrdreg $0xFFFFFFFF  }
0xb6: {  	s28 =	simm.s32 $_size_execute0_lowered;
	s3 =	sadd.s32 s3, s5;
	[dreg:$0x0] =	wrdreg $0x0  }
0xb7: {  	s5 =	sshll.u32 s28, $0x1;
	[dreg:$0x2] =	wrdreg s3  }
0xb8: {  	[dreg:$0x3] =	wrdreg s5  }
0xb9: {  	[dreg:$0x4] =	wrdreg $0xC0  }
0xba: {  	_ =	task [dreg:s22], $0x5FFFF  }
0xbb: {  	[dreg:$0x1] =	wrdreg $0xFFFFFFFF  }
0xbc: {  	[dreg:$0x0] =	wrdreg $0x60  }
0xbd: {  	[dreg:$0x2] =	wrdreg s24  }
0xbe: {  	[dreg:$0x3] =	wrdreg $0xA  }
0xbf: {  	_ =	task.clear_ibuf [dreg:s22], $0x4FFFF;
	_ =	strace $0x90000049  }
0xc0: {  	s29 =	simm.s32 $0xA;
	_ =	strace $0x8000004B  }
0xc1: {  	_ =	swait.ge [sflag:s29], $0x1  }
0xc2: {  	[sflag:s29] =	ssyncadd.s32 $0xFFFFFFFF  }
0xc3: {  	_ =	strace $0x9000004B  }
0xc4: {  	_ =	sfence  }
0xc5: {  	s30 =	sld [smem:$0x0];
	_ =	sdelay $0x2  }
0xc6: {  	s31 =	sshll.u32 s1, $0xD;
	s1 =	sshrl.u32 s1, $0x2  }
0xc7: {  	s4 =	sand.u32 $0x4000, s31;
	s1 =	sadd.s32 s1, s30  }
0xc8: {  	s0 =	sor.u32 s4, s0;
	s1 =	sshll.u32 s1, $0x11  }
0xc9: {  	s0 =	sor.u32 s1, s0  }
0xca: {  	s0 =	sadd.s32 $0x8F2B, s0  }
0xcb: {  	[sflag:s0] =	ssyncadd.remote.s32 $0x1  }
0xcc: {  	_ =	sfence.sel $0xFFFF  }
0xcd: {  	[dreg:$0x0] =	wrdreg $0xFFFFFFFF;
	(pc) =	sbr.abs _section_cstart, $3  }
0xce: {  	[dreg:$0x1] =	wrdreg $0xFFFFFFFF  }
0xcf: {  	_ =	task.clear_ibuf [dreg:s22], $0x2FFFF;
	_ =	strace $0x9FFFFFFF  }
0xd0: {  	(tm) =	ssettm $0x7FFFFFFF  }
0xd1: {  	_ =	shalt  }
tec
execute0_lowered:
.L_overlay_start_1:
0x0: {  	(tag) =	ssettag $0x1  }
0x1: {  	s1 =	srdreg.scid  }
0x2: {  	s0 =	stileid.u32;
	s12 =	sand.u32 $0x1, s1  }
0x3: {  	s31 =	sshll.u32 s0, $0x9;
	s2 =	sshll.u32 s12, $0x8  }
0x4: {  	s11 =	sor.u32 s2, s31  }
0x5: {  	s10 =	rddreg [dreg:$0x0];
	s2 =	simm.s32 $0x0;
	s3 =	sshrl.u32 s11, $0x3  }
0x6: {  	s4 =	simm.s32 $0x5;
	[smem:$0x7FF] =	sst s2;
	s3 =	sadd.s32 s3, s10  }
0x7: {  	s1 =	rddreg [dreg:$0x1];
	_ =	strace $0x8000004A;
	s3 =	sadd.s32 $0xA800, s3  }
0x8: {  	[tilespmem:s2], [sflag:$0x5] =	stream.linear.gather [hbm4b:s3+s2], $0x100, $0x38;
	[tilespmem:$0x8100] =	vst v63  }
0x9: {  	_ =	swait.ge [sflag:s4], $0x100  }
0xa: {  	s6 =	simm.s32 $0x80;
	[sflag:s4] =	ssyncset.done $0x0  }
0xb: {  	s7 =	simm.s32 $0x100;
	s5 =	sadd.s32 $0x2400, s10;
	[sflag:s4] =	ssyncadd.s32 $0xFFFFFF00  }
0xc: {  	[tilespmem:s7], [sflag:$0x1] =	stream.indirect.gather [hbm4b:s5+s6], $0x80, s2, s6, $0xb8;
	[tilespmem:$0x8100] =	vst v63  }
0xd: {  	s8 =	simm.s32 $0x4100;
	s9 =	simm.s32 $0x1  }
0xe: {  	[tilespmem:s8], [sflag:$0x2] =	stream.indirect.gather [hbm4b:s5+s6], $0x80, s6, s6, $0xb8;
	[tilespmem:$0x8100] =	vst v63  }
0xf: {  	s14 =	ssub.s32 $0x2, s12;
	s11 =	sshll.u32 s11, $0x4;
	_ =	swait.ge [sflag:s9], $0x4000  }
0x10: {  	s15 =	sshrl.u32 s14, $0x1;
	s13 =	sadd.s32 s11, s10;
	[sflag:s9] =	ssyncset.done $0x0  }
0x11: {  	s11 =	simm.s32 $0x2;
	s10 =	sadd.s32 $0xAC00, s13;
	[sflag:s9] =	ssyncadd.s32 $0xFFFFC000  }
0x12: {  	[hbm4b:s10+s2] =	stream.linear.scatter [tilespmem:s7], [sflag:$0x3], $0x4000, $0x38;
	[tilespmem:$0x8100] =	vst v63  }
0x13: {  	s14 =	ssub.s32 s14, s15;
	_ =	swait.ge [sflag:s11], $0x4000  }
0x14: {  	s15 =	smax.u32 s14, $0x1;
	s12 =	sadd.s32 $0xB400, s13;
	[sflag:s11] =	ssyncset.done $0x0  }
0x15: {  	s13 =	simm.s32 $0x3;
	p0 =	sne.s32 s15, $0x1;
	[sflag:s11] =	ssyncadd.s32 $0xFFFFC000  }
0x16: {  	[hbm4b:s12+s2] =	stream.linear.scatter [tilespmem:s8], [sflag:$0x4], $0x4000, $0x38;
	[tilespmem:$0x8100] =	vst v63  }
.Ltmp0:
0x17: {  	_ =	swait.ge [sflag:s13], $0x4000;
	(pc) =	sbr.rel @!p0 .LBB2_2-.Ltmp0, $4  }
0x18: {  	[sflag:s13] =	ssyncset.done $0x0  }
0x19: {  	s14 =	simm.s32 $0x4;
	[sflag:s13] =	ssyncadd.s32 $0xFFFFC000  }
0x1a: {  	_ =	swait.ge [sflag:s14], $0x4000  }
0x1b: {  	s15 =	sadd.s32 $0xFFFFFFFF, s15;
	[sflag:s14] =	ssyncset.done $0x0  }
.LBB2_1:
0x1c: {  	p0 =	sne.s32 s15, $0x1;
	s15 =	sadd.s32 $0xFFFFFFFF, s15;
	[sflag:s14] =	ssyncadd.s32 $0xFFFFC000  }
0x1d: {  	[tilespmem:s2], [sflag:$0x5] =	stream.linear.gather [hbm4b:s3+s2], $0x100, $0x38;
	[tilespmem:$0x8100] =	vst v63  }
0x1e: {  	_ =	swait.ge [sflag:s4], $0x100  }
0x1f: {  	[sflag:s4] =	ssyncset.done $0x0  }
0x20: {  	[sflag:s4] =	ssyncadd.s32 $0xFFFFFF00  }
0x21: {  	[tilespmem:s7], [sflag:$0x1] =	stream.indirect.gather [hbm4b:s5+s6], $0x80, s2, s6, $0xb8;
	[tilespmem:$0x8100] =	vst v63  }
0x22: {  	_ = 	snop  }
0x23: {  	[tilespmem:s8], [sflag:$0x2] =	stream.indirect.gather [hbm4b:s5+s6], $0x80, s6, s6, $0xb8;
	[tilespmem:$0x8100] =	vst v63  }
0x24: {  	_ =	swait.ge [sflag:s9], $0x4000  }
0x25: {  	[sflag:s9] =	ssyncset.done $0x0  }
0x26: {  	[sflag:s9] =	ssyncadd.s32 $0xFFFFC000  }
0x27: {  	[hbm4b:s10+s2] =	stream.linear.scatter [tilespmem:s7], [sflag:$0x3], $0x4000, $0x38;
	[tilespmem:$0x8100] =	vst v63  }
0x28: {  	_ =	swait.ge [sflag:s11], $0x4000  }
0x29: {  	[sflag:s11] =	ssyncset.done $0x0  }
0x2a: {  	[sflag:s11] =	ssyncadd.s32 $0xFFFFC000  }
0x2b: {  	[hbm4b:s12+s2] =	stream.linear.scatter [tilespmem:s8], [sflag:$0x4], $0x4000, $0x38;
	[tilespmem:$0x8100] =	vst v63  }
.Ltmp1:
0x2c: {  	_ =	swait.ge [sflag:s13], $0x4000;
	(pc) =	sbr.rel @p0 .LBB2_1-.Ltmp1, $4  }
0x2d: {  	[sflag:s13] =	ssyncset.done $0x0  }
0x2e: {  	[sflag:s13] =	ssyncadd.s32 $0xFFFFC000  }
0x2f: {  	_ =	swait.ge [sflag:s14], $0x4000  }
0x30: {  	[sflag:s14] =	ssyncset.done $0x0  }
.LBB2_2:
0x31: {  	[sflag:s14] =	ssyncadd.s32 $0xFFFFC000  }
0x32: {  	_ =	sfence.sel $0x180000  }
0x33: {  	[bflag:$0x0] =	sbarrier.arrive $0xFFFF  }
0x34: {  	p0 =	sne.s32 s0, $0x0;
	_ =	strace $0x9000004A  }
0x35: {  	s0 =	sadd.s32 @!p0 $0x100000, s1;
	[bflag:$0x2] =	sbarrier.arrive $0xFFFF  }
0x36: {  	[sflag:s0] =	ssyncadd.tile.s32 @!p0 $0x1;
	_ =	shalt  }
.Lfunc_end2:
_tile_overlayer_lowered:
.L_overlay_start_2:
0x37: {  	(tag) =	ssettag $0x2  }
0x38: {  	s0 =	rddreg [dreg:$0x0];
	s2 =	stileid.u32  }
0x39: {  	s1 =	rddreg [dreg:$0x1];
	p0 =	sne.s32 s2, $0x0  }
0x3a: {  	s3 =	rddreg [dreg:$0x2];
	[bflag:$0x3] =	sbarrier.arrive $0xFFFF;
	s2 =	simm.s32 @!p0 $0x1C05  }
0x3b: {  	[timem:s3], [sflag:s2] =	dma.local @!p0 [hbm:s0], s1  }
0x3c: {  	s0 =	simm.s32 @!p0 $0x5  }
0x3d: {  	_ =	swait.ge @!p0 [sflag:s0], s1  }
0x3e: {  	s1 =	ssub.s32 @!p0 $0x0, s1;
	[sflag:s0] =	ssyncset.done @!p0 $0x0  }
0x3f: {  	[sflag:s0] =	ssyncadd.s32 @!p0 s1  }
0x40: {  	[bflag:$0x3] =	sbarrier.arrive $0xFFFF  }
0x41: {  	_ =	shalt  }

</sc_bundles>
